<compile_context>
chip_gen: v7x
topology: tpu7x:2x2x1
jax: 0.10.2.dev20260603
libtpu: 0.0.44.dev20260713+nightly
codegen_flags: <defaults>
</compile_context>

<pallas_src>
import functools

import jax
import jax.numpy as jnp
from jax import lax
from jax.experimental import pallas as pl
from jax.experimental.pallas import tpu as pltpu
from jax.experimental.pallas import tpu_sc as plsc

_VOCAB = 100000
_EMB = 64
_BATCH = 16384
_HIST = 200

_NC = 2
_NS = 16
_NW = _NC * _NS
_ROWS_W = _BATCH // _NW
_CBLK = 128
_NCBLK = _ROWS_W // _CBLK
_LSPLIT = (96, 104)
_LOFF = (0, 96)
_GRP = 16
_NGRP = _CBLK // _GRP
_UNROLL = 2

_PBLK = 25600
_PGRID = (_VOCAB + _PBLK - 1) // _PBLK


def _proj_body(et_ref, w_ref, p_ref):
    p_ref[...] = jnp.sum(et_ref[...] * w_ref[...], axis=0)


def _proj(emb_t, fc_w_t):
    return pl.pallas_call(
        _proj_body,
        grid=(_PGRID,),
        in_specs=[
            pl.BlockSpec((_EMB, _PBLK), lambda i: (0, i)),
            pl.BlockSpec((_EMB, 1), lambda i: (0, 0)),
        ],
        out_specs=pl.BlockSpec((_PBLK,), lambda i: (i,)),
        out_shape=jax.ShapeDtypeStruct((_VOCAB,), jnp.float32),
    )(emb_t, fc_w_t)


_MESH = plsc.VectorSubcoreMesh(core_axis_name="c", subcore_axis_name="s")


@functools.partial(
    pl.kernel,
    out_type=jax.ShapeDtypeStruct((_BATCH,), jnp.float32),
    mesh=_MESH,
    compiler_params=pltpu.CompilerParams(needs_layout_passes=False),
    scratch_types=[
        pltpu.VMEM((_VOCAB,), jnp.float32),
        pltpu.VMEM((max(_LSPLIT), _CBLK), jnp.int32),
        pltpu.VMEM((max(_LSPLIT), _CBLK), jnp.int32),
        pltpu.VMEM((_ROWS_W,), jnp.float32),
        pltpu.VMEM((16,), jnp.float32),
        pltpu.SemaphoreType.DMA,
        pltpu.SemaphoreType.DMA,
        pltpu.SemaphoreType.DMA,
    ],
)
def _sc_pool(xt_hbm, p_hbm, b_hbm, out_hbm,
             p_v, xa, xb, out_v, b_v, sem_a, sem_b, sem_p):
    wid = lax.axis_index("s") * _NC + lax.axis_index("c")
    col0 = wid * _ROWS_W

    def _copy_desc(cb, h, buf, sem, make):
        ctor = pltpu.make_async_copy if make else pltpu.async_copy
        return ctor(
            xt_hbm.at[pl.ds(_LOFF[h], _LSPLIT[h]),
                      pl.ds(col0 + cb * _CBLK, _CBLK)],
            buf.at[pl.ds(0, _LSPLIT[h]), :], sem)

    def start_copy(cb, h, buf, sem):
        return _copy_desc(cb, h, buf, sem, False)

    def wait_copy(cb, h, buf, sem):
        _copy_desc(cb, h, buf, sem, True).wait()

    start_copy(0, 0, xa, sem_a)
    p_copy = pltpu.async_copy(p_hbm, p_v, sem_p)
    pltpu.sync_copy(b_hbm, b_v.at[pl.ds(0, 1)])
    p_copy.wait()
    bias = b_v[pl.ds(0, 16)][0]

    zf = jnp.zeros((16,), jnp.float32)
    zi = jnp.zeros((16,), jnp.int32)
    one = jnp.full((16,), 1, jnp.int32)

    def half_sum(xbuf, h, accs):
        @plsc.parallel_loop(0, _LSPLIT[h], 1, unroll=_UNROLL, carry=accs)
        def body(l, carry, xbuf=xbuf):
            out = []
            for g in range(_NGRP):
                acc, cnt = carry[2 * g], carry[2 * g + 1]
                xv = xbuf[l, pl.ds(g * _GRP, _GRP)]
                pv = plsc.load_gather(p_v, [xv])
                out.append(acc + pv)
                out.append(cnt + jnp.minimum(xv, one))
            return tuple(out)

        return body

    def cb_body(cb, dummy):
        start_copy(cb, 1, xb, sem_b)
        wait_copy(cb, 0, xa, sem_a)
        accs = half_sum(xa, 0, (zf, zi) * _NGRP)

        @pl.when(cb + 1 < _NCBLK)
        def _():
            start_copy(cb + 1, 0, xa, sem_a)

        wait_copy(cb, 1, xb, sem_b)
        accs = half_sum(xb, 1, accs)
        for g in range(_NGRP):
            acc, cnt = accs[2 * g], accs[2 * g + 1]
            res = acc / cnt.astype(jnp.float32) + bias
            out_v[pl.ds(cb * _CBLK + g * _GRP, _GRP)] = res
        return dummy

    lax.fori_loop(0, _NCBLK, cb_body, 0)

    pltpu.sync_copy(out_v, out_hbm.at[pl.ds(wid * _ROWS_W, _ROWS_W)])


def kernel(x, embedding, fc_w, fc_b):
    xt = x.astype(jnp.int32).T
    p = _proj(embedding.T, fc_w.T)
    out = _sc_pool(xt, p, fc_b)
    return out.reshape(_BATCH, 1)

# --- scband reference (transcript-rebuilt; emitter-appended) ---
"""Pipeline reference for scband-dan-44899588112815 (READ-ONLY COPY).

The authoritative reference and input builder live on the scoring server;
editing this copy changes nothing except your own understanding.
"""

import jax, jax.numpy as jnp
import numpy as np

VOCAB = 100000
EMB = 64
BATCH = 16384
HIST = 200

def setup_inputs(seed: int = 0) -> dict:
    key = jax.random.key(seed)
    k1, k2, k3, k4 = jax.random.split(key, 4)
    x = jax.random.randint(k1, (BATCH, HIST), 0, VOCAB, dtype=jnp.int64)
    embedding = jax.random.normal(k2, (VOCAB, EMB), dtype=jnp.float32)
    fc_w = jax.random.normal(k3, (1, EMB), dtype=jnp.float32) * (1.0 / np.sqrt(EMB))
    fc_b = jax.random.normal(k4, (1,), dtype=jnp.float32) * 0.01
    return {"x": x, "embedding": embedding, "fc_w": fc_w, "fc_b": fc_b}

def reference(x, embedding, fc_w, fc_b):
    # embedding lookup: [B, L, E]
    embedded = jnp.take(embedding, x, axis=0)
    emb_sum = jnp.sum(embedded, axis=1)  # [B, E]
    lengths = jnp.sum((x != 0).astype(jnp.float32), axis=1, keepdims=True)  # [B, 1]
    emb_mean = emb_sum / lengths
    out = emb_mean @ fc_w.T + fc_b  # [B, 1]
    return out

if __name__ == "__main__":
    import jax
    _d = setup_inputs()
    print(jax.jit(kernel)(*tuple(_d.values())))

</pallas_src>

<mosaic_0001>
#map = affine_map<(d0, d1) -> (0, 0)>
#map1 = affine_map<(d0, d1) -> (0)>
module attributes {stable_mosaic.version = 14 : i64} {
  func.func @_sc_pool(%arg0: i32, %arg1: i32, %arg2: memref<200x16384xi32, #tpu.memory_space<hbm>>, %arg3: memref<100000xf32, #tpu.memory_space<hbm>>, %arg4: memref<1xf32, #tpu.memory_space<hbm>>, %arg5: memref<16384xf32, #tpu.memory_space<hbm>>, %arg6: memref<100000xf32, #tpu.memory_space<vmem>>, %arg7: memref<104x128xi32, #tpu.memory_space<vmem>>, %arg8: memref<104x128xi32, #tpu.memory_space<vmem>>, %arg9: memref<512xf32, #tpu.memory_space<vmem>>, %arg10: memref<16xf32, #tpu.memory_space<vmem>>, %arg11: memref<!tpu.dma_semaphore, #tpu.memory_space<semaphore_mem>>, %arg12: memref<!tpu.dma_semaphore, #tpu.memory_space<semaphore_mem>>, %arg13: memref<!tpu.dma_semaphore, #tpu.memory_space<semaphore_mem>>) attributes {dimension_semantics = [#tpu.dimension_semantics<core_parallel>, #tpu.dimension_semantics<subcore_parallel>], iteration_bounds = array<i64: 2, 16>, scalar_prefetch = 0 : i64, scratch_operands = 8 : i64, tpu.core_type = #tpu.core_type<sc_vector_subcore>, window_params = [{transform_indices = #map}, {transform_indices = #map1}, {transform_indices = #map1}, {transform_indices = #map1}]} {
    %mul3A = arith.constant 2 : i32
    %mul3A_0 = arith.muli %arg1, %mul3A : i32
    %add3A = arith.addi %mul3A_0, %arg0 : i32
    %mul3A_1 = arith.constant 512 : i32
    %mul3A_2 = arith.muli %add3A, %mul3A_1 : i32
    %add3A_3 = arith.constant 0 : i32
    %add3A_4 = arith.addi %mul3A_2, %add3A_3 : i32
    %dma_start3A = arith.constant 0 : i32
    %dma_start3A_5 = arith.constant 0 : i32
    %dma_start3A_6 = tpu.memref_slice %arg7[%dma_start3A, %dma_start3A_5] : memref<104x128xi32, #tpu.memory_space<vmem>> -> memref<96x128xi32, #tpu.memory_space<vmem>>
    %dma_start3A_7 = arith.constant 0 : i32
    %dma_start3A_8 = tpu.memref_slice %arg2[%dma_start3A_7, %add3A_4] : memref<200x16384xi32, #tpu.memory_space<hbm>> -> memref<96x128xi32, #tpu.memory_space<hbm>>
    %dma_start3A_9 = arith.constant 0 : i32
    %dma_start3A_10 = arith.constant 0 : i32
    %dma_start3A_11 = tpu.memref_slice %arg7[%dma_start3A_9, %dma_start3A_10] : memref<104x128xi32, #tpu.memory_space<vmem>> -> memref<96x128xi32, #tpu.memory_space<vmem>>
    %dma_start3A_12 = arith.constant 0 : i32
    %dma_start3A_13 = tpu.memref_slice %arg2[%dma_start3A_12, %add3A_4] : memref<200x16384xi32, #tpu.memory_space<hbm>> -> memref<96x128xi32, #tpu.memory_space<hbm>>
    tpu.enqueue_dma source(%dma_start3A_13 : memref<96x128xi32, #tpu.memory_space<hbm>>) target(%dma_start3A_11 : memref<96x128xi32, #tpu.memory_space<vmem>>) target_semaphore(%arg11 : memref<!tpu.dma_semaphore, #tpu.memory_space<semaphore_mem>>)
    tpu.enqueue_dma source(%arg3 : memref<100000xf32, #tpu.memory_space<hbm>>) target(%arg6 : memref<100000xf32, #tpu.memory_space<vmem>>) target_semaphore(%arg13 : memref<!tpu.dma_semaphore, #tpu.memory_space<semaphore_mem>>)
    "tpu.region"() ({
      %run_scoped3A = tpu.sem_alloc : memref<!tpu.dma_semaphore, #tpu.memory_space<semaphore_mem>>
      %dma_start3A_27 = arith.constant 0 : i32
      %dma_start3A_28 = tpu.memref_slice %arg10[%dma_start3A_27] : memref<16xf32, #tpu.memory_space<vmem>> -> memref<1xf32, #tpu.memory_space<vmem>>
      %dma_start3A_29 = arith.constant 0 : i32
      %dma_start3A_30 = tpu.memref_slice %arg10[%dma_start3A_29] : memref<16xf32, #tpu.memory_space<vmem>> -> memref<1xf32, #tpu.memory_space<vmem>>
      tpu.enqueue_dma source(%arg4 : memref<1xf32, #tpu.memory_space<hbm>>) target(%dma_start3A_30 : memref<1xf32, #tpu.memory_space<vmem>>) target_semaphore(%run_scoped3A : memref<!tpu.dma_semaphore, #tpu.memory_space<semaphore_mem>>)
      %dma_wait3A = arith.constant 0 : i32
      %dma_wait3A_31 = tpu.memref_slice %arg10[%dma_wait3A] : memref<16xf32, #tpu.memory_space<vmem>> -> memref<1xf32, #tpu.memory_space<vmem>>
      %dma_wait3A_32 = arith.constant 0 : i32
      %dma_wait3A_33 = tpu.memref_slice %arg10[%dma_wait3A_32] : memref<16xf32, #tpu.memory_space<vmem>> -> memref<1xf32, #tpu.memory_space<vmem>>
      tpu.wait_dma2 semaphore(%run_scoped3A : memref<!tpu.dma_semaphore, #tpu.memory_space<semaphore_mem>>) src(%arg4 : memref<1xf32, #tpu.memory_space<hbm>>) dst(%dma_wait3A_33 : memref<1xf32, #tpu.memory_space<vmem>>)
      tpu.yield
    }) : () -> ()
    tpu.wait_dma2 semaphore(%arg13 : memref<!tpu.dma_semaphore, #tpu.memory_space<semaphore_mem>>) src(%arg3 : memref<100000xf32, #tpu.memory_space<hbm>>) dst(%arg6 : memref<100000xf32, #tpu.memory_space<vmem>>)
    %get3A = arith.constant 0 : index
    %get3A_14 = tpu.vector_load %arg10[%get3A] {strides = array<i32>} : memref<16xf32, #tpu.memory_space<vmem>>, vector<16xf32>,
    %slice3A = vector.extract_strided_slice %get3A_14 {offsets = [0], sizes = [1], strides = [1]} : vector<16xf32> to vector<1xf32>
    %squeeze3A = vector.extract %slice3A[0] : f32 from vector<1xf32>
    %broadcast_in_dim3A = arith.constant 0.000000e+00 : f32
    %broadcast_in_dim3A_15 = vector.broadcast %broadcast_in_dim3A : f32 to vector<16xf32>
    %broadcast_in_dim3A_16 = arith.constant 0 : i32
    %broadcast_in_dim3A_17 = vector.broadcast %broadcast_in_dim3A_16 : i32 to vector<16xi32>
    %broadcast_in_dim3A_18 = arith.constant 1 : i32
    %broadcast_in_dim3A_19 = vector.broadcast %broadcast_in_dim3A_18 : i32 to vector<16xi32>
    %scan3A = arith.constant 0 : i32
    %scan3A_20 = arith.constant 0 : i32
    %scan3A_21 = arith.constant 4 : i32
    %scan3A_22 = arith.addi %scan3A_20, %scan3A_21 : i32
    %scan3A_23 = arith.constant 1 : i32
    scf.for %scan3A_27 = %scan3A_20 to %scan3A_22 step %scan3A_23  : i32 {
      %mul3A_28 = arith.constant 128 : i32
      %mul3A_29 = arith.muli %scan3A_27, %mul3A_28 : i32
      %add3A_30 = arith.addi %mul3A_2, %mul3A_29 : i32
      %dma_start3A_31 = arith.constant 0 : i32
      %dma_start3A_32 = arith.constant 0 : i32
      %dma_start3A_33 = tpu.memref_slice %arg8[%dma_start3A_31, %dma_start3A_32] : memref<104x128xi32, #tpu.memory_space<vmem>> -> memref<104x128xi32, #tpu.memory_space<vmem>>
      %dma_start3A_34 = arith.constant 96 : i32
      %dma_start3A_35 = tpu.memref_slice %arg2[%dma_start3A_34, %add3A_30] : memref<200x16384xi32, #tpu.memory_space<hbm>> -> memref<104x128xi32, #tpu.memory_space<hbm>>
      %dma_start3A_36 = arith.constant 0 : i32
      %dma_start3A_37 = arith.constant 0 : i32
      %dma_start3A_38 = tpu.memref_slice %arg8[%dma_start3A_36, %dma_start3A_37] : memref<104x128xi32, #tpu.memory_space<vmem>> -> memref<104x128xi32, #tpu.memory_space<vmem>>
      %dma_start3A_39 = arith.constant 96 : i32
      %dma_start3A_40 = tpu.memref_slice %arg2[%dma_start3A_39, %add3A_30] : memref<200x16384xi32, #tpu.memory_space<hbm>> -> memref<104x128xi32, #tpu.memory_space<hbm>>
      tpu.enqueue_dma source(%dma_start3A_40 : memref<104x128xi32, #tpu.memory_space<hbm>>) target(%dma_start3A_38 : memref<104x128xi32, #tpu.memory_space<vmem>>) target_semaphore(%arg12 : memref<!tpu.dma_semaphore, #tpu.memory_space<semaphore_mem>>)
      %mul3A_41 = arith.constant 128 : i32
      %mul3A_42 = arith.muli %scan3A_27, %mul3A_41 : i32
      %add3A_43 = arith.addi %mul3A_2, %mul3A_42 : i32
      %dma_wait3A = arith.constant 0 : i32
      %dma_wait3A_44 = arith.constant 0 : i32
      %dma_wait3A_45 = tpu.memref_slice %arg7[%dma_wait3A, %dma_wait3A_44] : memref<104x128xi32, #tpu.memory_space<vmem>> -> memref<96x128xi32, #tpu.memory_space<vmem>>
      %dma_wait3A_46 = arith.constant 0 : i32
      %dma_wait3A_47 = tpu.memref_slice %arg2[%dma_wait3A_46, %add3A_43] : memref<200x16384xi32, #tpu.memory_space<hbm>> -> memref<96x128xi32, #tpu.memory_space<hbm>>
      %dma_wait3A_48 = arith.constant 0 : i32
      %dma_wait3A_49 = arith.constant 0 : i32
      %dma_wait3A_50 = tpu.memref_slice %arg7[%dma_wait3A_48, %dma_wait3A_49] : memref<104x128xi32, #tpu.memory_space<vmem>> -> memref<96x128xi32, #tpu.memory_space<vmem>>
      %dma_wait3A_51 = arith.constant 0 : i32
      %dma_wait3A_52 = tpu.memref_slice %arg2[%dma_wait3A_51, %add3A_43] : memref<200x16384xi32, #tpu.memory_space<hbm>> -> memref<96x128xi32, #tpu.memory_space<hbm>>
      tpu.wait_dma2 semaphore(%arg11 : memref<!tpu.dma_semaphore, #tpu.memory_space<semaphore_mem>>) src(%dma_wait3A_52 : memref<96x128xi32, #tpu.memory_space<hbm>>) dst(%dma_wait3A_50 : memref<96x128xi32, #tpu.memory_space<vmem>>)
      %parallel_loop3A = arith.constant 0 : i32
      %parallel_loop3A_53 = arith.constant 96 : i32
      %parallel_loop3A_54 = arith.constant 1 : i32
      %parallel_loop3A_55:16 = scf.for %parallel_loop3A_155 = %parallel_loop3A to %parallel_loop3A_53 step %parallel_loop3A_54 iter_args(%parallel_loop3A_156 = %broadcast_in_dim3A_15, %parallel_loop3A_157 = %broadcast_in_dim3A_17, %parallel_loop3A_158 = %broadcast_in_dim3A_15, %parallel_loop3A_159 = %broadcast_in_dim3A_17, %parallel_loop3A_160 = %broadcast_in_dim3A_15, %parallel_loop3A_161 = %broadcast_in_dim3A_17, %parallel_loop3A_162 = %broadcast_in_dim3A_15, %parallel_loop3A_163 = %broadcast_in_dim3A_17, %parallel_loop3A_164 = %broadcast_in_dim3A_15, %parallel_loop3A_165 = %broadcast_in_dim3A_17, %parallel_loop3A_166 = %broadcast_in_dim3A_15, %parallel_loop3A_167 = %broadcast_in_dim3A_17, %parallel_loop3A_168 = %broadcast_in_dim3A_15, %parallel_loop3A_169 = %broadcast_in_dim3A_17, %parallel_loop3A_170 = %broadcast_in_dim3A_15, %parallel_loop3A_171 = %broadcast_in_dim3A_17) -> (vector<16xf32>, vector<16xi32>, vector<16xf32>, vector<16xi32>, vector<16xf32>, vector<16xi32>, vector<16xf32>, vector<16xi32>, vector<16xf32>, vector<16xi32>, vector<16xf32>, vector<16xi32>, vector<16xf32>, vector<16xi32>, vector<16xf32>, vector<16xi32>)  : i32 {
        %parallel_loop3A_172 = arith.index_cast %parallel_loop3A_155 : i32 to index
        %parallel_loop3A_173 = arith.constant 0 : index
        %parallel_loop3A_174 = tpu.vector_load %arg7[%parallel_loop3A_172, %parallel_loop3A_173] {strides = array<i32>} : memref<104x128xi32, #tpu.memory_space<vmem>>, vector<16xi32>,
        %parallel_loop3A_175 = tpu.vector_load_idx %arg6[%parallel_loop3A_174] : memref<100000xf32, #tpu.memory_space<vmem>>[vector<16xi32>], vector<16xf32>,
        %parallel_loop3A_176 = arith.addf %parallel_loop3A_156, %parallel_loop3A_175 : vector<16xf32>
        %parallel_loop3A_177 = arith.minsi %parallel_loop3A_174, %broadcast_in_dim3A_19 : vector<16xi32>
        %parallel_loop3A_178 = arith.addi %parallel_loop3A_157, %parallel_loop3A_177 : vector<16xi32>
        %parallel_loop3A_179 = arith.index_cast %parallel_loop3A_155 : i32 to index
        %parallel_loop3A_180 = arith.constant 16 : index
        %parallel_loop3A_181 = tpu.vector_load %arg7[%parallel_loop3A_179, %parallel_loop3A_180] {strides = array<i32>} : memref<104x128xi32, #tpu.memory_space<vmem>>, vector<16xi32>,
        %parallel_loop3A_182 = tpu.vector_load_idx %arg6[%parallel_loop3A_181] : memref<100000xf32, #tpu.memory_space<vmem>>[vector<16xi32>], vector<16xf32>,
        %parallel_loop3A_183 = arith.addf %parallel_loop3A_158, %parallel_loop3A_182 : vector<16xf32>
        %parallel_loop3A_184 = arith.minsi %parallel_loop3A_181, %broadcast_in_dim3A_19 : vector<16xi32>
        %parallel_loop3A_185 = arith.addi %parallel_loop3A_159, %parallel_loop3A_184 : vector<16xi32>
        %parallel_loop3A_186 = arith.index_cast %parallel_loop3A_155 : i32 to index
        %parallel_loop3A_187 = arith.constant 32 : index
        %parallel_loop3A_188 = tpu.vector_load %arg7[%parallel_loop3A_186, %parallel_loop3A_187] {strides = array<i32>} : memref<104x128xi32, #tpu.memory_space<vmem>>, vector<16xi32>,
        %parallel_loop3A_189 = tpu.vector_load_idx %arg6[%parallel_loop3A_188] : memref<100000xf32, #tpu.memory_space<vmem>>[vector<16xi32>], vector<16xf32>,
        %parallel_loop3A_190 = arith.addf %parallel_loop3A_160, %parallel_loop3A_189 : vector<16xf32>
        %parallel_loop3A_191 = arith.minsi %parallel_loop3A_188, %broadcast_in_dim3A_19 : vector<16xi32>
        %parallel_loop3A_192 = arith.addi %parallel_loop3A_161, %parallel_loop3A_191 : vector<16xi32>
        %parallel_loop3A_193 = arith.index_cast %parallel_loop3A_155 : i32 to index
        %parallel_loop3A_194 = arith.constant 48 : index
        %parallel_loop3A_195 = tpu.vector_load %arg7[%parallel_loop3A_193, %parallel_loop3A_194] {strides = array<i32>} : memref<104x128xi32, #tpu.memory_space<vmem>>, vector<16xi32>,
        %parallel_loop3A_196 = tpu.vector_load_idx %arg6[%parallel_loop3A_195] : memref<100000xf32, #tpu.memory_space<vmem>>[vector<16xi32>], vector<16xf32>,
        %parallel_loop3A_197 = arith.addf %parallel_loop3A_162, %parallel_loop3A_196 : vector<16xf32>
        %parallel_loop3A_198 = arith.minsi %parallel_loop3A_195, %broadcast_in_dim3A_19 : vector<16xi32>
        %parallel_loop3A_199 = arith.addi %parallel_loop3A_163, %parallel_loop3A_198 : vector<16xi32>
        %parallel_loop3A_200 = arith.index_cast %parallel_loop3A_155 : i32 to index
        %parallel_loop3A_201 = arith.constant 64 : index
        %parallel_loop3A_202 = tpu.vector_load %arg7[%parallel_loop3A_200, %parallel_loop3A_201] {strides = array<i32>} : memref<104x128xi32, #tpu.memory_space<vmem>>, vector<16xi32>,
        %parallel_loop3A_203 = tpu.vector_load_idx %arg6[%parallel_loop3A_202] : memref<100000xf32, #tpu.memory_space<vmem>>[vector<16xi32>], vector<16xf32>,
        %parallel_loop3A_204 = arith.addf %parallel_loop3A_164, %parallel_loop3A_203 : vector<16xf32>
        %parallel_loop3A_205 = arith.minsi %parallel_loop3A_202, %broadcast_in_dim3A_19 : vector<16xi32>
        %parallel_loop3A_206 = arith.addi %parallel_loop3A_165, %parallel_loop3A_205 : vector<16xi32>
        %parallel_loop3A_207 = arith.index_cast %parallel_loop3A_155 : i32 to index
        %parallel_loop3A_208 = arith.constant 80 : index
        %parallel_loop3A_209 = tpu.vector_load %arg7[%parallel_loop3A_207, %parallel_loop3A_208] {strides = array<i32>} : memref<104x128xi32, #tpu.memory_space<vmem>>, vector<16xi32>,
        %parallel_loop3A_210 = tpu.vector_load_idx %arg6[%parallel_loop3A_209] : memref<100000xf32, #tpu.memory_space<vmem>>[vector<16xi32>], vector<16xf32>,
        %parallel_loop3A_211 = arith.addf %parallel_loop3A_166, %parallel_loop3A_210 : vector<16xf32>
        %parallel_loop3A_212 = arith.minsi %parallel_loop3A_209, %broadcast_in_dim3A_19 : vector<16xi32>
        %parallel_loop3A_213 = arith.addi %parallel_loop3A_167, %parallel_loop3A_212 : vector<16xi32>
        %parallel_loop3A_214 = arith.index_cast %parallel_loop3A_155 : i32 to index
        %parallel_loop3A_215 = arith.constant 96 : index
        %parallel_loop3A_216 = tpu.vector_load %arg7[%parallel_loop3A_214, %parallel_loop3A_215] {strides = array<i32>} : memref<104x128xi32, #tpu.memory_space<vmem>>, vector<16xi32>,
        %parallel_loop3A_217 = tpu.vector_load_idx %arg6[%parallel_loop3A_216] : memref<100000xf32, #tpu.memory_space<vmem>>[vector<16xi32>], vector<16xf32>,
        %parallel_loop3A_218 = arith.addf %parallel_loop3A_168, %parallel_loop3A_217 : vector<16xf32>
        %parallel_loop3A_219 = arith.minsi %parallel_loop3A_216, %broadcast_in_dim3A_19 : vector<16xi32>
        %parallel_loop3A_220 = arith.addi %parallel_loop3A_169, %parallel_loop3A_219 : vector<16xi32>
        %parallel_loop3A_221 = arith.index_cast %parallel_loop3A_155 : i32 to index
        %parallel_loop3A_222 = arith.constant 112 : index
        %parallel_loop3A_223 = tpu.vector_load %arg7[%parallel_loop3A_221, %parallel_loop3A_222] {strides = array<i32>} : memref<104x128xi32, #tpu.memory_space<vmem>>, vector<16xi32>,
        %parallel_loop3A_224 = tpu.vector_load_idx %arg6[%parallel_loop3A_223] : memref<100000xf32, #tpu.memory_space<vmem>>[vector<16xi32>], vector<16xf32>,
        %parallel_loop3A_225 = arith.addf %parallel_loop3A_170, %parallel_loop3A_224 : vector<16xf32>
        %parallel_loop3A_226 = arith.minsi %parallel_loop3A_223, %broadcast_in_dim3A_19 : vector<16xi32>
        %parallel_loop3A_227 = arith.addi %parallel_loop3A_171, %parallel_loop3A_226 : vector<16xi32>
        scf.yield %parallel_loop3A_176, %parallel_loop3A_178, %parallel_loop3A_183, %parallel_loop3A_185, %parallel_loop3A_190, %parallel_loop3A_192, %parallel_loop3A_197, %parallel_loop3A_199, %parallel_loop3A_204, %parallel_loop3A_206, %parallel_loop3A_211, %parallel_loop3A_213, %parallel_loop3A_218, %parallel_loop3A_220, %parallel_loop3A_225, %parallel_loop3A_227 : vector<16xf32>, vector<16xi32>, vector<16xf32>, vector<16xi32>, vector<16xf32>, vector<16xi32>, vector<16xf32>, vector<16xi32>, vector<16xf32>, vector<16xi32>, vector<16xf32>, vector<16xi32>, vector<16xf32>, vector<16xi32>, vector<16xf32>, vector<16xi32>
      } {sc.loop_unroll_factor = 2 : i64, sc.parallel_access}
      %add3A_56 = arith.constant 1 : i32
      %add3A_57 = arith.addi %scan3A_27, %add3A_56 : i32
      %lt3A = arith.constant 4 : i32
      %lt3A_58 = arith.cmpi slt, %add3A_57, %lt3A : i32
      %convert_element_type3A = arith.extui %lt3A_58 : i1 to i32
      %cond3A = arith.constant 0 : i32
      %cond3A_59 = arith.cmpi ne, %convert_element_type3A, %cond3A : i32
      scf.if %cond3A_59 {
        %add3A_155 = arith.constant 1 : i32
        %add3A_156 = arith.addi %scan3A_27, %add3A_155 : i32
        %mul3A_157 = arith.constant 128 : i32
        %mul3A_158 = arith.muli %add3A_156, %mul3A_157 : i32
        %add3A_159 = arith.addi %mul3A_2, %mul3A_158 : i32
        %dma_start3A_160 = arith.constant 0 : i32
        %dma_start3A_161 = arith.constant 0 : i32
        %dma_start3A_162 = tpu.memref_slice %arg7[%dma_start3A_160, %dma_start3A_161] : memref<104x128xi32, #tpu.memory_space<vmem>> -> memref<96x128xi32, #tpu.memory_space<vmem>>
        %dma_start3A_163 = arith.constant 0 : i32
        %dma_start3A_164 = tpu.memref_slice %arg2[%dma_start3A_163, %add3A_159] : memref<200x16384xi32, #tpu.memory_space<hbm>> -> memref<96x128xi32, #tpu.memory_space<hbm>>
        %dma_start3A_165 = arith.constant 0 : i32
        %dma_start3A_166 = arith.constant 0 : i32
        %dma_start3A_167 = tpu.memref_slice %arg7[%dma_start3A_165, %dma_start3A_166] : memref<104x128xi32, #tpu.memory_space<vmem>> -> memref<96x128xi32, #tpu.memory_space<vmem>>
        %dma_start3A_168 = arith.constant 0 : i32
        %dma_start3A_169 = tpu.memref_slice %arg2[%dma_start3A_168, %add3A_159] : memref<200x16384xi32, #tpu.memory_space<hbm>> -> memref<96x128xi32, #tpu.memory_space<hbm>>
        tpu.enqueue_dma source(%dma_start3A_169 : memref<96x128xi32, #tpu.memory_space<hbm>>) target(%dma_start3A_167 : memref<96x128xi32, #tpu.memory_space<vmem>>) target_semaphore(%arg11 : memref<!tpu.dma_semaphore, #tpu.memory_space<semaphore_mem>>)
      } else {
      }
      %mul3A_60 = arith.constant 128 : i32
      %mul3A_61 = arith.muli %scan3A_27, %mul3A_60 : i32
      %add3A_62 = arith.addi %mul3A_2, %mul3A_61 : i32
      %dma_wait3A_63 = arith.constant 0 : i32
      %dma_wait3A_64 = arith.constant 0 : i32
      %dma_wait3A_65 = tpu.memref_slice %arg8[%dma_wait3A_63, %dma_wait3A_64] : memref<104x128xi32, #tpu.memory_space<vmem>> -> memref<104x128xi32, #tpu.memory_space<vmem>>
      %dma_wait3A_66 = arith.constant 96 : i32
      %dma_wait3A_67 = tpu.memref_slice %arg2[%dma_wait3A_66, %add3A_62] : memref<200x16384xi32, #tpu.memory_space<hbm>> -> memref<104x128xi32, #tpu.memory_space<hbm>>
      %dma_wait3A_68 = arith.constant 0 : i32
      %dma_wait3A_69 = arith.constant 0 : i32
      %dma_wait3A_70 = tpu.memref_slice %arg8[%dma_wait3A_68, %dma_wait3A_69] : memref<104x128xi32, #tpu.memory_space<vmem>> -> memref<104x128xi32, #tpu.memory_space<vmem>>
      %dma_wait3A_71 = arith.constant 96 : i32
      %dma_wait3A_72 = tpu.memref_slice %arg2[%dma_wait3A_71, %add3A_62] : memref<200x16384xi32, #tpu.memory_space<hbm>> -> memref<104x128xi32, #tpu.memory_space<hbm>>
      tpu.wait_dma2 semaphore(%arg12 : memref<!tpu.dma_semaphore, #tpu.memory_space<semaphore_mem>>) src(%dma_wait3A_72 : memref<104x128xi32, #tpu.memory_space<hbm>>) dst(%dma_wait3A_70 : memref<104x128xi32, #tpu.memory_space<vmem>>)
      %parallel_loop3A_73 = arith.constant 0 : i32
      %parallel_loop3A_74 = arith.constant 104 : i32
      %parallel_loop3A_75 = arith.constant 1 : i32
      %parallel_loop3A_76:16 = scf.for %parallel_loop3A_155 = %parallel_loop3A_73 to %parallel_loop3A_74 step %parallel_loop3A_75 iter_args(%parallel_loop3A_156 = %parallel_loop3A_55#0, %parallel_loop3A_157 = %parallel_loop3A_55#1, %parallel_loop3A_158 = %parallel_loop3A_55#2, %parallel_loop3A_159 = %parallel_loop3A_55#3, %parallel_loop3A_160 = %parallel_loop3A_55#4, %parallel_loop3A_161 = %parallel_loop3A_55#5, %parallel_loop3A_162 = %parallel_loop3A_55#6, %parallel_loop3A_163 = %parallel_loop3A_55#7, %parallel_loop3A_164 = %parallel_loop3A_55#8, %parallel_loop3A_165 = %parallel_loop3A_55#9, %parallel_loop3A_166 = %parallel_loop3A_55#10, %parallel_loop3A_167 = %parallel_loop3A_55#11, %parallel_loop3A_168 = %parallel_loop3A_55#12, %parallel_loop3A_169 = %parallel_loop3A_55#13, %parallel_loop3A_170 = %parallel_loop3A_55#14, %parallel_loop3A_171 = %parallel_loop3A_55#15) -> (vector<16xf32>, vector<16xi32>, vector<16xf32>, vector<16xi32>, vector<16xf32>, vector<16xi32>, vector<16xf32>, vector<16xi32>, vector<16xf32>, vector<16xi32>, vector<16xf32>, vector<16xi32>, vector<16xf32>, vector<16xi32>, vector<16xf32>, vector<16xi32>)  : i32 {
        %parallel_loop3A_172 = arith.index_cast %parallel_loop3A_155 : i32 to index
        %parallel_loop3A_173 = arith.constant 0 : index
        %parallel_loop3A_174 = tpu.vector_load %arg8[%parallel_loop3A_172, %parallel_loop3A_173] {strides = array<i32>} : memref<104x128xi32, #tpu.memory_space<vmem>>, vector<16xi32>,
        %parallel_loop3A_175 = tpu.vector_load_idx %arg6[%parallel_loop3A_174] : memref<100000xf32, #tpu.memory_space<vmem>>[vector<16xi32>], vector<16xf32>,
        %parallel_loop3A_176 = arith.addf %parallel_loop3A_156, %parallel_loop3A_175 : vector<16xf32>
        %parallel_loop3A_177 = arith.minsi %parallel_loop3A_174, %broadcast_in_dim3A_19 : vector<16xi32>
        %parallel_loop3A_178 = arith.addi %parallel_loop3A_157, %parallel_loop3A_177 : vector<16xi32>
        %parallel_loop3A_179 = arith.index_cast %parallel_loop3A_155 : i32 to index
        %parallel_loop3A_180 = arith.constant 16 : index
        %parallel_loop3A_181 = tpu.vector_load %arg8[%parallel_loop3A_179, %parallel_loop3A_180] {strides = array<i32>} : memref<104x128xi32, #tpu.memory_space<vmem>>, vector<16xi32>,
        %parallel_loop3A_182 = tpu.vector_load_idx %arg6[%parallel_loop3A_181] : memref<100000xf32, #tpu.memory_space<vmem>>[vector<16xi32>], vector<16xf32>,
        %parallel_loop3A_183 = arith.addf %parallel_loop3A_158, %parallel_loop3A_182 : vector<16xf32>
        %parallel_loop3A_184 = arith.minsi %parallel_loop3A_181, %broadcast_in_dim3A_19 : vector<16xi32>
        %parallel_loop3A_185 = arith.addi %parallel_loop3A_159, %parallel_loop3A_184 : vector<16xi32>
        %parallel_loop3A_186 = arith.index_cast %parallel_loop3A_155 : i32 to index
        %parallel_loop3A_187 = arith.constant 32 : index
        %parallel_loop3A_188 = tpu.vector_load %arg8[%parallel_loop3A_186, %parallel_loop3A_187] {strides = array<i32>} : memref<104x128xi32, #tpu.memory_space<vmem>>, vector<16xi32>,
        %parallel_loop3A_189 = tpu.vector_load_idx %arg6[%parallel_loop3A_188] : memref<100000xf32, #tpu.memory_space<vmem>>[vector<16xi32>], vector<16xf32>,
        %parallel_loop3A_190 = arith.addf %parallel_loop3A_160, %parallel_loop3A_189 : vector<16xf32>
        %parallel_loop3A_191 = arith.minsi %parallel_loop3A_188, %broadcast_in_dim3A_19 : vector<16xi32>
        %parallel_loop3A_192 = arith.addi %parallel_loop3A_161, %parallel_loop3A_191 : vector<16xi32>
        %parallel_loop3A_193 = arith.index_cast %parallel_loop3A_155 : i32 to index
        %parallel_loop3A_194 = arith.constant 48 : index
        %parallel_loop3A_195 = tpu.vector_load %arg8[%parallel_loop3A_193, %parallel_loop3A_194] {strides = array<i32>} : memref<104x128xi32, #tpu.memory_space<vmem>>, vector<16xi32>,
        %parallel_loop3A_196 = tpu.vector_load_idx %arg6[%parallel_loop3A_195] : memref<100000xf32, #tpu.memory_space<vmem>>[vector<16xi32>], vector<16xf32>,
        %parallel_loop3A_197 = arith.addf %parallel_loop3A_162, %parallel_loop3A_196 : vector<16xf32>
        %parallel_loop3A_198 = arith.minsi %parallel_loop3A_195, %broadcast_in_dim3A_19 : vector<16xi32>
        %parallel_loop3A_199 = arith.addi %parallel_loop3A_163, %parallel_loop3A_198 : vector<16xi32>
        %parallel_loop3A_200 = arith.index_cast %parallel_loop3A_155 : i32 to index
        %parallel_loop3A_201 = arith.constant 64 : index
        %parallel_loop3A_202 = tpu.vector_load %arg8[%parallel_loop3A_200, %parallel_loop3A_201] {strides = array<i32>} : memref<104x128xi32, #tpu.memory_space<vmem>>, vector<16xi32>,
        %parallel_loop3A_203 = tpu.vector_load_idx %arg6[%parallel_loop3A_202] : memref<100000xf32, #tpu.memory_space<vmem>>[vector<16xi32>], vector<16xf32>,
        %parallel_loop3A_204 = arith.addf %parallel_loop3A_164, %parallel_loop3A_203 : vector<16xf32>
        %parallel_loop3A_205 = arith.minsi %parallel_loop3A_202, %broadcast_in_dim3A_19 : vector<16xi32>
        %parallel_loop3A_206 = arith.addi %parallel_loop3A_165, %parallel_loop3A_205 : vector<16xi32>
        %parallel_loop3A_207 = arith.index_cast %parallel_loop3A_155 : i32 to index
        %parallel_loop3A_208 = arith.constant 80 : index
        %parallel_loop3A_209 = tpu.vector_load %arg8[%parallel_loop3A_207, %parallel_loop3A_208] {strides = array<i32>} : memref<104x128xi32, #tpu.memory_space<vmem>>, vector<16xi32>,
        %parallel_loop3A_210 = tpu.vector_load_idx %arg6[%parallel_loop3A_209] : memref<100000xf32, #tpu.memory_space<vmem>>[vector<16xi32>], vector<16xf32>,
        %parallel_loop3A_211 = arith.addf %parallel_loop3A_166, %parallel_loop3A_210 : vector<16xf32>
        %parallel_loop3A_212 = arith.minsi %parallel_loop3A_209, %broadcast_in_dim3A_19 : vector<16xi32>
        %parallel_loop3A_213 = arith.addi %parallel_loop3A_167, %parallel_loop3A_212 : vector<16xi32>
        %parallel_loop3A_214 = arith.index_cast %parallel_loop3A_155 : i32 to index
        %parallel_loop3A_215 = arith.constant 96 : index
        %parallel_loop3A_216 = tpu.vector_load %arg8[%parallel_loop3A_214, %parallel_loop3A_215] {strides = array<i32>} : memref<104x128xi32, #tpu.memory_space<vmem>>, vector<16xi32>,
        %parallel_loop3A_217 = tpu.vector_load_idx %arg6[%parallel_loop3A_216] : memref<100000xf32, #tpu.memory_space<vmem>>[vector<16xi32>], vector<16xf32>,
        %parallel_loop3A_218 = arith.addf %parallel_loop3A_168, %parallel_loop3A_217 : vector<16xf32>
        %parallel_loop3A_219 = arith.minsi %parallel_loop3A_216, %broadcast_in_dim3A_19 : vector<16xi32>
        %parallel_loop3A_220 = arith.addi %parallel_loop3A_169, %parallel_loop3A_219 : vector<16xi32>
        %parallel_loop3A_221 = arith.index_cast %parallel_loop3A_155 : i32 to index
        %parallel_loop3A_222 = arith.constant 112 : index
        %parallel_loop3A_223 = tpu.vector_load %arg8[%parallel_loop3A_221, %parallel_loop3A_222] {strides = array<i32>} : memref<104x128xi32, #tpu.memory_space<vmem>>, vector<16xi32>,
        %parallel_loop3A_224 = tpu.vector_load_idx %arg6[%parallel_loop3A_223] : memref<100000xf32, #tpu.memory_space<vmem>>[vector<16xi32>], vector<16xf32>,
        %parallel_loop3A_225 = arith.addf %parallel_loop3A_170, %parallel_loop3A_224 : vector<16xf32>
        %parallel_loop3A_226 = arith.minsi %parallel_loop3A_223, %broadcast_in_dim3A_19 : vector<16xi32>
        %parallel_loop3A_227 = arith.addi %parallel_loop3A_171, %parallel_loop3A_226 : vector<16xi32>
        scf.yield %parallel_loop3A_176, %parallel_loop3A_178, %parallel_loop3A_183, %parallel_loop3A_185, %parallel_loop3A_190, %parallel_loop3A_192, %parallel_loop3A_197, %parallel_loop3A_199, %parallel_loop3A_204, %parallel_loop3A_206, %parallel_loop3A_211, %parallel_loop3A_213, %parallel_loop3A_218, %parallel_loop3A_220, %parallel_loop3A_225, %parallel_loop3A_227 : vector<16xf32>, vector<16xi32>, vector<16xf32>, vector<16xi32>, vector<16xf32>, vector<16xi32>, vector<16xf32>, vector<16xi32>, vector<16xf32>, vector<16xi32>, vector<16xf32>, vector<16xi32>, vector<16xf32>, vector<16xi32>, vector<16xf32>, vector<16xi32>
      } {sc.loop_unroll_factor = 2 : i64, sc.parallel_access}
      %convert_element_type3A_77 = arith.sitofp %parallel_loop3A_76#1 : vector<16xi32> to vector<16xf32>
      %div3A = arith.divf %parallel_loop3A_76#0, %convert_element_type3A_77 : vector<16xf32>
      %add3A_78 = vector.broadcast %squeeze3A : f32 to vector<16xf32>
      %add3A_79 = arith.addf %div3A, %add3A_78 : vector<16xf32>
      %mul3A_80 = arith.constant 128 : i32
      %mul3A_81 = arith.muli %scan3A_27, %mul3A_80 : i32
      %add3A_82 = arith.constant 0 : i32
      %add3A_83 = arith.addi %mul3A_81, %add3A_82 : i32
      %swap3A = arith.index_cast %add3A_83 : i32 to index
      %swap3A_84 = tpu.vector_load %arg9[%swap3A] {strides = array<i32>} : memref<512xf32, #tpu.memory_space<vmem>>, vector<16xf32>,
      tpu.vector_store %arg9[%swap3A], %add3A_79 {strides = array<i32>} : memref<512xf32, #tpu.memory_space<vmem>>, vector<16xf32>,
      %convert_element_type3A_85 = arith.sitofp %parallel_loop3A_76#3 : vector<16xi32> to vector<16xf32>
      %div3A_86 = arith.divf %parallel_loop3A_76#2, %convert_element_type3A_85 : vector<16xf32>
      %add3A_87 = vector.broadcast %squeeze3A : f32 to vector<16xf32>
      %add3A_88 = arith.addf %div3A_86, %add3A_87 : vector<16xf32>
      %mul3A_89 = arith.constant 128 : i32
      %mul3A_90 = arith.muli %scan3A_27, %mul3A_89 : i32
      %add3A_91 = arith.constant 16 : i32
      %add3A_92 = arith.addi %mul3A_90, %add3A_91 : i32
      %swap3A_93 = arith.index_cast %add3A_92 : i32 to index
      %swap3A_94 = tpu.vector_load %arg9[%swap3A_93] {strides = array<i32>} : memref<512xf32, #tpu.memory_space<vmem>>, vector<16xf32>,
      tpu.vector_store %arg9[%swap3A_93], %add3A_88 {strides = array<i32>} : memref<512xf32, #tpu.memory_space<vmem>>, vector<16xf32>,
      %convert_element_type3A_95 = arith.sitofp %parallel_loop3A_76#5 : vector<16xi32> to vector<16xf32>
      %div3A_96 = arith.divf %parallel_loop3A_76#4, %convert_element_type3A_95 : vector<16xf32>
      %add3A_97 = vector.broadcast %squeeze3A : f32 to vector<16xf32>
      %add3A_98 = arith.addf %div3A_96, %add3A_97 : vector<16xf32>
      %mul3A_99 = arith.constant 128 : i32
      %mul3A_100 = arith.muli %scan3A_27, %mul3A_99 : i32
      %add3A_101 = arith.constant 32 : i32
      %add3A_102 = arith.addi %mul3A_100, %add3A_101 : i32
      %swap3A_103 = arith.index_cast %add3A_102 : i32 to index
      %swap3A_104 = tpu.vector_load %arg9[%swap3A_103] {strides = array<i32>} : memref<512xf32, #tpu.memory_space<vmem>>, vector<16xf32>,
      tpu.vector_store %arg9[%swap3A_103], %add3A_98 {strides = array<i32>} : memref<512xf32, #tpu.memory_space<vmem>>, vector<16xf32>,
      %convert_element_type3A_105 = arith.sitofp %parallel_loop3A_76#7 : vector<16xi32> to vector<16xf32>
      %div3A_106 = arith.divf %parallel_loop3A_76#6, %convert_element_type3A_105 : vector<16xf32>
      %add3A_107 = vector.broadcast %squeeze3A : f32 to vector<16xf32>
      %add3A_108 = arith.addf %div3A_106, %add3A_107 : vector<16xf32>
      %mul3A_109 = arith.constant 128 : i32
      %mul3A_110 = arith.muli %scan3A_27, %mul3A_109 : i32
      %add3A_111 = arith.constant 48 : i32
      %add3A_112 = arith.addi %mul3A_110, %add3A_111 : i32
      %swap3A_113 = arith.index_cast %add3A_112 : i32 to index
      %swap3A_114 = tpu.vector_load %arg9[%swap3A_113] {strides = array<i32>} : memref<512xf32, #tpu.memory_space<vmem>>, vector<16xf32>,
      tpu.vector_store %arg9[%swap3A_113], %add3A_108 {strides = array<i32>} : memref<512xf32, #tpu.memory_space<vmem>>, vector<16xf32>,
      %convert_element_type3A_115 = arith.sitofp %parallel_loop3A_76#9 : vector<16xi32> to vector<16xf32>
      %div3A_116 = arith.divf %parallel_loop3A_76#8, %convert_element_type3A_115 : vector<16xf32>
      %add3A_117 = vector.broadcast %squeeze3A : f32 to vector<16xf32>
      %add3A_118 = arith.addf %div3A_116, %add3A_117 : vector<16xf32>
      %mul3A_119 = arith.constant 128 : i32
      %mul3A_120 = arith.muli %scan3A_27, %mul3A_119 : i32
      %add3A_121 = arith.constant 64 : i32
      %add3A_122 = arith.addi %mul3A_120, %add3A_121 : i32
      %swap3A_123 = arith.index_cast %add3A_122 : i32 to index
      %swap3A_124 = tpu.vector_load %arg9[%swap3A_123] {strides = array<i32>} : memref<512xf32, #tpu.memory_space<vmem>>, vector<16xf32>,
      tpu.vector_store %arg9[%swap3A_123], %add3A_118 {strides = array<i32>} : memref<512xf32, #tpu.memory_space<vmem>>, vector<16xf32>,
      %convert_element_type3A_125 = arith.sitofp %parallel_loop3A_76#11 : vector<16xi32> to vector<16xf32>
      %div3A_126 = arith.divf %parallel_loop3A_76#10, %convert_element_type3A_125 : vector<16xf32>
      %add3A_127 = vector.broadcast %squeeze3A : f32 to vector<16xf32>
      %add3A_128 = arith.addf %div3A_126, %add3A_127 : vector<16xf32>
      %mul3A_129 = arith.constant 128 : i32
      %mul3A_130 = arith.muli %scan3A_27, %mul3A_129 : i32
      %add3A_131 = arith.constant 80 : i32
      %add3A_132 = arith.addi %mul3A_130, %add3A_131 : i32
      %swap3A_133 = arith.index_cast %add3A_132 : i32 to index
      %swap3A_134 = tpu.vector_load %arg9[%swap3A_133] {strides = array<i32>} : memref<512xf32, #tpu.memory_space<vmem>>, vector<16xf32>,
      tpu.vector_store %arg9[%swap3A_133], %add3A_128 {strides = array<i32>} : memref<512xf32, #tpu.memory_space<vmem>>, vector<16xf32>,
      %convert_element_type3A_135 = arith.sitofp %parallel_loop3A_76#13 : vector<16xi32> to vector<16xf32>
      %div3A_136 = arith.divf %parallel_loop3A_76#12, %convert_element_type3A_135 : vector<16xf32>
      %add3A_137 = vector.broadcast %squeeze3A : f32 to vector<16xf32>
      %add3A_138 = arith.addf %div3A_136, %add3A_137 : vector<16xf32>
      %mul3A_139 = arith.constant 128 : i32
      %mul3A_140 = arith.muli %scan3A_27, %mul3A_139 : i32
      %add3A_141 = arith.constant 96 : i32
      %add3A_142 = arith.addi %mul3A_140, %add3A_141 : i32
      %swap3A_143 = arith.index_cast %add3A_142 : i32 to index
      %swap3A_144 = tpu.vector_load %arg9[%swap3A_143] {strides = array<i32>} : memref<512xf32, #tpu.memory_space<vmem>>, vector<16xf32>,
      tpu.vector_store %arg9[%swap3A_143], %add3A_138 {strides = array<i32>} : memref<512xf32, #tpu.memory_space<vmem>>, vector<16xf32>,
      %convert_element_type3A_145 = arith.sitofp %parallel_loop3A_76#15 : vector<16xi32> to vector<16xf32>
      %div3A_146 = arith.divf %parallel_loop3A_76#14, %convert_element_type3A_145 : vector<16xf32>
      %add3A_147 = vector.broadcast %squeeze3A : f32 to vector<16xf32>
      %add3A_148 = arith.addf %div3A_146, %add3A_147 : vector<16xf32>
      %mul3A_149 = arith.constant 128 : i32
      %mul3A_150 = arith.muli %scan3A_27, %mul3A_149 : i32
      %add3A_151 = arith.constant 112 : i32
      %add3A_152 = arith.addi %mul3A_150, %add3A_151 : i32
      %swap3A_153 = arith.index_cast %add3A_152 : i32 to index
      %swap3A_154 = tpu.vector_load %arg9[%swap3A_153] {strides = array<i32>} : memref<512xf32, #tpu.memory_space<vmem>>, vector<16xf32>,
      tpu.vector_store %arg9[%swap3A_153], %add3A_148 {strides = array<i32>} : memref<512xf32, #tpu.memory_space<vmem>>, vector<16xf32>,
    }
    %scan3A_24 = arith.constant 4 : i32
    %mul3A_25 = arith.constant 512 : i32
    %mul3A_26 = arith.muli %add3A, %mul3A_25 : i32
    "tpu.region"() ({
      %run_scoped3A = tpu.sem_alloc : memref<!tpu.dma_semaphore, #tpu.memory_space<semaphore_mem>>
      %dma_start3A_27 = tpu.memref_slice %arg5[%mul3A_26] : memref<16384xf32, #tpu.memory_space<hbm>> -> memref<512xf32, #tpu.memory_space<hbm>>
      %dma_start3A_28 = tpu.memref_slice %arg5[%mul3A_26] : memref<16384xf32, #tpu.memory_space<hbm>> -> memref<512xf32, #tpu.memory_space<hbm>>
      tpu.enqueue_dma source(%arg9 : memref<512xf32, #tpu.memory_space<vmem>>) target(%dma_start3A_28 : memref<512xf32, #tpu.memory_space<hbm>>) target_semaphore(%run_scoped3A : memref<!tpu.dma_semaphore, #tpu.memory_space<semaphore_mem>>)
      %dma_wait3A = tpu.memref_slice %arg5[%mul3A_26] : memref<16384xf32, #tpu.memory_space<hbm>> -> memref<512xf32, #tpu.memory_space<hbm>>
      %dma_wait3A_29 = tpu.memref_slice %arg5[%mul3A_26] : memref<16384xf32, #tpu.memory_space<hbm>> -> memref<512xf32, #tpu.memory_space<hbm>>
      tpu.wait_dma2 semaphore(%run_scoped3A : memref<!tpu.dma_semaphore, #tpu.memory_space<semaphore_mem>>) src(%arg9 : memref<512xf32, #tpu.memory_space<vmem>>) dst(%dma_wait3A_29 : memref<512xf32, #tpu.memory_space<hbm>>)
      tpu.yield
    }) : () -> ()
    return
  }
}

module attributes {stable_mosaic.version = 14 : i64} {
  func.func @_proj_body(%arg0: i32, %arg1: memref<64x25600xf32, #tpu.memory_space<vmem>>, %arg2: memref<64x1xf32, #tpu.memory_space<vmem>>, %arg3: memref<25600xf32, #tpu.memory_space<vmem>>) attributes {dimension_semantics = [#tpu.dimension_semantics<arbitrary>], iteration_bounds = array<i64: 4>, scalar_prefetch = 0 : i64, scratch_operands = 0 : i64, tpu.core_type = #tpu.core_type<tc>, window_params = [{transform_indices = @transform_0, window_bounds = array<i64: 64, 25600>}, {pipeline_mode = #tpu.pipeline_mode<synchronous>, transform_indices = @transform_1, window_bounds = array<i64: 64, 1>}, {transform_indices = @transform_2, window_bounds = array<i64: 25600>}]} {
    %get3A = arith.constant 0 : index
    %get3A_0 = arith.constant 0 : index
    %get3A_1 = vector.load %arg1[%get3A, %get3A_0] : memref<64x25600xf32, #tpu.memory_space<vmem>>, vector<64x25600xf32>
    %get3A_2 = arith.constant 0 : index
    %get3A_3 = arith.constant 0 : index
    %get3A_4 = vector.load %arg2[%get3A_2, %get3A_3] : memref<64x1xf32, #tpu.memory_space<vmem>>, vector<64x1xf32>
    %mul3A = vector.broadcast %get3A_4 : vector<64x1xf32> to vector<64x25600xf32>
    %mul3A_5 = arith.mulf %get3A_1, %mul3A : vector<64x25600xf32>
    %reduce_sum3A = arith.constant dense<0.000000e+00> : vector<25600xf32>
    %reduce_sum3A_6 = vector.multi_reduction <add>, %mul3A_5, %reduce_sum3A [0] : vector<64x25600xf32> to vector<25600xf32>
    %swap3A = arith.constant 0 : index
    %swap3A_7 = vector.load %arg3[%swap3A] : memref<25600xf32, #tpu.memory_space<vmem>>, vector<25600xf32>
    tpu.vector_store %arg3[%swap3A], %reduce_sum3A_6 {strides = array<i32>} : memref<25600xf32, #tpu.memory_space<vmem>>, vector<25600xf32>,
    return
  }
  func.func @transform_0(%arg0: i32) -> (i32, i32) {
    %c0_i32 = arith.constant 0 : i32
    %c0_i32_0 = arith.constant 0 : i32
    return %c0_i32, %arg0 : i32, i32
  }
  func.func @transform_1(%arg0: i32) -> (i32, i32) {
    %c0_i32 = arith.constant 0 : i32
    %c0_i32_0 = arith.constant 0 : i32
    %c0_i32_1 = arith.constant 0 : i32
    return %c0_i32, %c0_i32_0 : i32, i32
  }
  func.func @transform_2(%arg0: i32) -> i32 {
    %c0_i32 = arith.constant 0 : i32
    return %arg0 : i32
  }
}

</mosaic_0001>

<sc_bundles>
// kernel: kernel.4.cloned.1.call-start
scs
__scs_entry_jumppad:
0x0: {  	(pc) =	sbr.rel $0x88, $3  }
0x1: {  	(tag) =	ssettag $0x0;
	lr =	simm.s32 $0x1  }
0x2: {  	[smem:$0x3F9D] =	sst lr;
	_ =	strace $0xD0000000  }
0x3: {  	_ = 	snop  }
0x4: {  	_ = 	snop  }
0x5: {  	_ = 	snop  }
0x6: {  	_ = 	snop  }
0x7: {  	_ = 	snop  }
__scs_overlays_trampoline_lowered:
0x8: {  	[smem:$0x3FAC] =	sst s0  }
0x9: {  	[smem:$0x3FAD] =	sst s1  }
0xa: {  	[smem:$0x3FAE] =	sst s2  }
0xb: {  	[smem:$0x3FAF] =	sst s3  }
0xc: {  	[smem:$0x3FB0] =	sst s4  }
0xd: {  	[smem:$0x3FB1] =	sst s5  }
0xe: {  	[smem:$0x3FB2] =	sst s6  }
0xf: {  	[smem:$0x3FB3] =	sst s7  }
0x10: {  	[smem:$0x3FB4] =	sst s8  }
0x11: {  	[smem:$0x3FB5] =	sst s9;
	s0 =	simm.s32 @!p0 $0x0  }
0x12: {  	s1 =	sld [smem:$0x3F9B];
	s0 =	simm.s32 @p0 $0x1  }
0x13: {  	[smem:$0x3FB6] =	sst s0;
	s0 =	simm.s32 @!p1 $0x0  }
0x14: {  	s2 =	sld [smem:$0x3F9A];
	s0 =	simm.s32 @p1 $0x1  }
0x15: {  	[smem:$0x3FB7] =	sst s0;
	s0 =	simm.s32 @!p2 $0x0  }
0x16: {  	s3 =	sld [smem:$0x3FDB];
	s0 =	simm.s32 @p2 $0x1  }
0x17: {  	s4 =	simm.s32 $0x1BF5;
	[smem:$0x3FB9] =	sst s0  }
0x18: {  	s0 =	sld [smem:$0x3F9C];
	_ =	swait.ge [sflag:s4], $0x0  }
0x19: {  	s7 =	sld [smem:$0x3F9D]  }
0x1a: {  	s8 =	sadd.s32 $0xFFFFE003, lr  }
0x1b: {  	s9 =	sadd.s32 $0xFFFFFEF7, lr;
	s5 =	simm.s32 $0xFFFFFFFF;
	p2 =	slt.u32 s8, $0xFFFFF086  }
0x1c: {  	p1 =	slt.u32 s9, $0xF7A;
	s5 =	simm.s32 @!p2 $0x0  }
0x1d: {  	s5 =	simm.s32 @p1 $0x1;
	p0 =	seq.s32 s7, s2  }
0x1e: {  	s7 =	smul.u32 @!p0 $0xF7A, s2;
	p2 =	seq.s32 @!p0 s5, $0x0  }
0x1f: {  	s9 =	smul.u32 $0xF7A, s1;
	s8 =	simm.s32 @!p0 $0x1BF5;
	p2 =	por !p2, p0  }
0x20: {  	[sflag:s8] =	ssyncset.s32 @!p0 $0xFFFFF086;
	s6 =	sadd.s32 @!p0 s3, s7;
	s7 =	simm.s32 @!p0 $0x108  }
0x21: {  	s3 =	sadd.s32 s3, s9;
	s6 =	sadd.s32 @!p0 $0x88, s6;
	s7 =	simm.s32 @p2 $0x1082  }
0x22: {  	[simem:s7], [sflag:s8] =	dma.local @!p0 [hbm:s6], $0xF7A  }
0x23: {  	s9 =	sor.u32 $0xD0000000, s2;
	s6 =	simm.s32 $0x108;
	_ =	swait.ge @!p0 [sflag:s8], $0x0  }
0x24: {  	s3 =	sadd.s32 $0x88, s3;
	s6 =	simm.s32 @!p1 $0x1082;
	[sflag:s4] =	ssyncset.s32 $0xFFFFF086  }
0x25: {  	[simem:s6], [sflag:s4] =	dma.local [hbm:s3], $0xF7A  }
0x26: {  	[smem:$0x3F9D] =	sst s1;
	(tag) =	ssettag s2;
	_ =	strace s9  }
0x27: {  	s1 =	sld [smem:$0x3FAD]  }
0x28: {  	s2 =	sld [smem:$0x3FAE]  }
0x29: {  	s4 =	sld [smem:$0x3FB0]  }
0x2a: {  	p0 =	seq.s32 s5, $0x0;
	s5 =	sld [smem:$0x3FB1]  }
0x2b: {  	s6 =	sld [smem:$0x3FB2]  }
0x2c: {  	s7 =	sld [smem:$0x3FB3]  }
0x2d: {  	s3 =	simm.s32 $0x108;
	s8 =	sld [smem:$0x3FB4]  }
0x2e: {  	s3 =	simm.s32 @!p0 $0x1082;
	s9 =	sld [smem:$0x3FB5]  }
0x2f: {  	lr =	sadd.s32 s0, s3;
	s0 =	sld [smem:$0x3FAC]  }
0x30: {  	s3 =	sld [smem:$0x3FAF]  }
0x31: {  	[smem:$0x3FB8] =	sst s10  }
0x32: {  	s10 =	sld [smem:$0x3FB6];
	_ =	sdelay $0x3  }
0x33: {  	p0 =	seq.s32 s10, $0x1;
	s10 =	sld [smem:$0x3FB8];
	_ =	sdelay $0x3  }
0x34: {  	[smem:$0x3FB8] =	sst s10  }
0x35: {  	s10 =	sld [smem:$0x3FB7];
	_ =	sdelay $0x3  }
0x36: {  	p1 =	seq.s32 s10, $0x1;
	s10 =	sld [smem:$0x3FB8];
	_ =	sdelay $0x3  }
0x37: {  	[smem:$0x3FB8] =	sst s10  }
0x38: {  	s10 =	sld [smem:$0x3FB9]  }
0x39: {  	_ = 	snop;
	(pc) =	sbr.ind lr, $3  }
0x3a: {  	_ = 	snop  }
0x3b: {  	_ = 	snop  }
0x3c: {  	p2 =	seq.s32 s10, $0x1;
	s10 =	sld [smem:$0x3FB8]  }
0x3d: {  	_ =	shalt  }
0x3e: {  	_ =	shalt  }
0x3f: {  	_ =	shalt  }
0x40: {  	_ =	shalt  }
0x41: {  	_ =	shalt  }
0x42: {  	_ =	shalt  }
0x43: {  	_ =	shalt  }
0x44: {  	_ =	shalt  }
0x45: {  	_ =	shalt  }
0x46: {  	_ =	shalt  }
0x47: {  	_ =	shalt  }
0x48: {  	_ =	shalt  }
0x49: {  	_ =	shalt  }
0x4a: {  	_ =	shalt  }
0x4b: {  	_ =	shalt  }
0x4c: {  	_ =	shalt  }
0x4d: {  	_ =	shalt  }
0x4e: {  	_ =	shalt  }
0x4f: {  	_ =	shalt  }
0x50: {  	_ =	shalt  }
0x51: {  	_ =	shalt  }
0x52: {  	_ =	shalt  }
0x53: {  	_ =	shalt  }
0x54: {  	_ =	shalt  }
0x55: {  	_ =	shalt  }
0x56: {  	_ =	shalt  }
0x57: {  	_ =	shalt  }
0x58: {  	_ =	shalt  }
0x59: {  	_ =	shalt  }
0x5a: {  	_ =	shalt  }
0x5b: {  	_ =	shalt  }
0x5c: {  	_ =	shalt  }
0x5d: {  	_ =	shalt  }
0x5e: {  	_ =	shalt  }
0x5f: {  	_ =	shalt  }
0x60: {  	_ =	shalt  }
0x61: {  	_ =	shalt  }
0x62: {  	_ =	shalt  }
0x63: {  	_ =	shalt  }
0x64: {  	_ =	shalt  }
0x65: {  	_ =	shalt  }
0x66: {  	_ =	shalt  }
0x67: {  	_ =	shalt  }
0x68: {  	_ =	shalt  }
0x69: {  	_ =	shalt  }
0x6a: {  	_ =	shalt  }
0x6b: {  	_ =	shalt  }
0x6c: {  	_ =	shalt  }
0x6d: {  	_ =	shalt  }
0x6e: {  	_ =	shalt  }
0x6f: {  	_ =	shalt  }
0x70: {  	_ =	shalt  }
0x71: {  	_ =	shalt  }
0x72: {  	_ =	shalt  }
0x73: {  	_ =	shalt  }
0x74: {  	_ =	shalt  }
0x75: {  	_ =	shalt  }
0x76: {  	_ =	shalt  }
0x77: {  	_ =	shalt  }
0x78: {  	_ =	shalt  }
0x79: {  	_ =	shalt  }
0x7a: {  	_ =	shalt  }
0x7b: {  	_ =	shalt  }
0x7c: {  	_ =	shalt  }
0x7d: {  	_ =	shalt  }
0x7e: {  	_ =	shalt  }
0x7f: {  	_ =	shalt  }
0x80: {  	_ =	shalt  }
0x81: {  	_ =	shalt  }
0x82: {  	_ =	shalt  }
0x83: {  	_ =	shalt  }
0x84: {  	_ =	shalt  }
0x85: {  	_ =	shalt  }
0x86: {  	_ =	shalt  }
0x87: {  	_ =	shalt  }
.Lfunc_end0:
.L_simem_size_0:
called_computation_lowered:
.L_overlay_start_0:
0x88: {  	s2 =	sld [smem:$0x3FD9]  }
0x89: {  	s3 =	sld [smem:$0x3FFE];
	_ =	sdelay $0x1  }
0x8a: {  	s1 =	srdreg.scid  }
0x8b: {  	s0 =	sand.u32 $0x1, s1  }
0x8c: {  	s17 =	sshll.u32 s0, $0xA;
	s2 =	sadd.s32 s3, s2  }
0x8d: {  	s2 =	sadd.s32 s2, s17  }
0x8e: {  	[smem:$0x3FC4] =	sst s2  }
0x8f: {  	_ = 	snop  }
0x90: {  	s2 =	sld [smem:$0x3FC9]  }
0x91: {  	s18 =	sld [smem:$0x3FC6]  }
0x92: {  	s4 =	sld [smem:$0x3FD0];
	(tm) =	ssettm $0x1  }
0x93: {  	s5 =	sld [smem:$0x3FFB];
	_ =	sdelay $0x3  }
0x94: {  	_ =	strace s5  }
0x95: {  	s5 =	sld [smem:$0x3FFC];
	_ =	sdelay $0x3  }
0x96: {  	_ =	strace s5  }
0x97: {  	s5 =	sld [smem:$0x3FFD];
	_ =	sdelay $0x3  }
0x98: {  	_ =	strace s5  }
0x99: {  	_ =	strace $0x8FFFFFFF  }
0x9a: {  	s19 =	sld [smem:$0x3FDB];
	_ =	sdelay $0x1  }
0x9b: {  	s6 =	simm.s32 $_scs_section_size  }
0x9c: {  	s7 =	simm.s32 $_size__tile_overlayer_lowered;
	s8 =	simm.s32 $_tile_overlayer_lowered  }
0x9d: {  	s22 =	simm.s32 $0x1BFF;
	s21 =	sshll.u32 s8, $0x1;
	s5 =	sadd.s32 s6, s19  }
0x9e: {  	s9 =	simm.s32 $0x0;
	s20 =	sshll.u32 s7, $0x1;
	s7 =	sadd.s32 s21, s5  }
0x9f: {  	[timem:s9], [sflag:s22] =	dma.local [hbm:s7], s20  }
0xa0: {  	_ =	swait.ge [sflag:s22], s20  }
0xa1: {  	s6 =	ssub.s32 $0x0, s20;
	[sflag:s22] =	ssyncset.done $0x0  }
0xa2: {  	[sflag:s22] =	ssyncadd.s32 s6;
	_ =	sdelay $0x1  }
0xa3: {  	s23 =	simm.s32 $0x1B8B  }
0xa4: {  	_ =	swait.ge [sflag:s23], $0x1  }
0xa5: {  	[sflag:s23] =	ssyncset.done $0x0  }
0xa6: {  	s25 =	simm.s32 $0x1B8E;
	s24 =	sld [smem:$0x3FFE];
	[sflag:s23] =	ssyncadd.s32 $0xFFFFFFFF  }
0xa7: {  	s26 =	simm.s32 $execute0_lowered;
	[smem:$0x3FD2] =	sst s25  }
0xa8: {  	s7 =	sshll.u32 s26, $0x1;
	_ =	strace $0x80000046;
	[dreg:$0x1] =	wrdreg $0xFFFFFFFF  }
0xa9: {  	s28 =	simm.s32 $_size_execute0_lowered;
	s5 =	sadd.s32 s5, s7;
	[dreg:$0x0] =	wrdreg $0x0  }
0xaa: {  	s7 =	sshll.u32 s28, $0x1;
	[dreg:$0x2] =	wrdreg s5  }
0xab: {  	[dreg:$0x3] =	wrdreg s7  }
0xac: {  	[dreg:$0x4] =	wrdreg $0xC0  }
0xad: {  	_ =	task [dreg:s9], $0x5FFFF  }
0xae: {  	[dreg:$0x1] =	wrdreg $0xFFFFFFFF  }
0xaf: {  	[dreg:$0x0] =	wrdreg $0x60  }
0xb0: {  	[dreg:$0x2] =	wrdreg s2  }
0xb1: {  	[dreg:$0x3] =	wrdreg s24  }
0xb2: {  	[dreg:$0x4] =	wrdreg s18  }
0xb3: {  	[dreg:$0x5] =	wrdreg s4  }
0xb4: {  	[dreg:$0x6] =	wrdreg $0x9  }
0xb5: {  	_ =	task.clear_ibuf [dreg:s9], $0x7FFFF;
	_ =	strace $0x90000046  }
0xb6: {  	s29 =	simm.s32 $0x9;
	_ =	strace $0x80000048  }
0xb7: {  	_ =	swait.ge [sflag:s29], $0x1  }
0xb8: {  	[sflag:s29] =	ssyncadd.s32 $0xFFFFFFFF  }
0xb9: {  	_ =	strace $0x90000048  }
0xba: {  	_ =	sfence  }
0xbb: {  	s30 =	sld [smem:$0x0];
	_ =	sdelay $0x2  }
0xbc: {  	s31 =	sshll.u32 s1, $0xD;
	s1 =	sshrl.u32 s1, $0x2  }
0xbd: {  	s3 =	sand.u32 $0x4000, s31;
	s1 =	sadd.s32 s1, s30  }
0xbe: {  	s0 =	sor.u32 s3, s0;
	s1 =	sshll.u32 s1, $0x11  }
0xbf: {  	s0 =	sor.u32 s1, s0  }
0xc0: {  	s0 =	sadd.s32 $0x8F2B, s0  }
0xc1: {  	[sflag:s0] =	ssyncadd.remote.s32 $0x1  }
0xc2: {  	_ =	sfence.sel $0xFFFF  }
0xc3: {  	[dreg:$0x0] =	wrdreg $0xFFFFFFFF;
	(pc) =	sbr.abs _section_cstart, $3  }
0xc4: {  	[dreg:$0x1] =	wrdreg $0xFFFFFFFF  }
0xc5: {  	_ =	task.clear_ibuf [dreg:s9], $0x2FFFF;
	_ =	strace $0x9FFFFFFF  }
0xc6: {  	(tm) =	ssettm $0x7FFFFFFF  }
0xc7: {  	_ =	shalt  }
tec
execute0_lowered:
.L_overlay_start_1:
0x0: {  	(tag) =	ssettag $0x1  }
0x1: {  	s5 =	rddreg [dreg:$0x0]  }
0x2: {  	s4 =	rddreg [dreg:$0x1]  }
0x3: {  	s1 =	rddreg [dreg:$0x2]  }
0x4: {  	s7 =	rddreg [dreg:$0x3]  }
0x5: {  	s0 =	rddreg [dreg:$0x4];
	s3 =	simm.s32 $0x0;
	s6 =	srdreg.scid  }
0x6: {  	s2 =	stileid.u32;
	s10 =	simm.s32 $0x20000;
	s11 =	simm.s32 $0x18700  }
0x7: {  	s12 =	simm.s32 $0x1F100;
	s13 =	simm.s32 $0x4;
	s14 =	simm.s32 $0x3  }
0x8: {  	s15 =	simm.s32 $0x1BB00;
	s16 =	simm.s32 $0x1;
	s17 =	simm.s32 $0x2  }
0x9: {  	s18 =	simm.s32 $0x1EF00;
	s19 =	simm.s32 $0x0;
	s6 =	sand.u32 $0x1, s6  }
0xa: {  	[smem:$0x7FF] =	sst s3;
	s8 =	sshll.u32 s2, $0xA;
	s9 =	sshll.u32 s6, $0x9  }
0xb: {  	s4 =	sadd.s32 $0x600, s4;
	s6 =	ssub.s32 $0x2, s6;
	s8 =	sor.u32 s9, s8  }
0xc: {  	_ =	strace $0x80000047;
	s31 =	sshrl.u32 s6, $0x1;
	s5 =	sadd.s32 s5, s8  }
0xd: {  	s8 =	sshrl.u32 s8, $0x3;
	s9 =	ssub.s32 s6, s31;
	s6 =	sadd.s32 $0x30000, s5  }
0xe: {  	s7 =	sadd.s32 s7, s8;
	s8 =	smax.u32 s9, $0x1;
	s9 =	simm.s32 $0x400  }
.LBB2_1:
0xf: {  	[tilespmem:s11], [sflag:$0x1] =	stream.strided.gather [hbm4b:s5+s9], $0x3000, s10, s9, $0x38;
	[tilespmem:$0x1F180] =	vst v63  }
0x10: {  	_ = 	snop  }
0x11: {  	[tilespmem:s3], [sflag:$0x3] =	stream.linear.gather [hbm4b:s4+s3], $0x18700, $0x38;
	[tilespmem:$0x1F180] =	vst v63  }
0x12: {  	_ = 	snop  }
0x13: {  	[tilespmem:s12], [sflag:$0x4] =	stream.linear.gather [hbm4b:s1+s3], $0x1, $0x38;
	[tilespmem:$0x1F180] =	vst v63  }
0x14: {  	_ =	swait.ge [sflag:s13], $0x1  }
0x15: {  	[sflag:s13] =	ssyncset.done $0x0  }
0x16: {  	[sflag:s13] =	ssyncadd.s32 $0xFFFFFFFF  }
0x17: {  	_ =	swait.ge [sflag:s14], $0x18700  }
0x18: {  	[sflag:s14] =	ssyncset.done $0x0  }
0x19: {  	[sflag:s14] =	ssyncadd.s32 $0xFFFE7900  }
0x1a: {  	s22 =	simm.s32 $0x0;
	v0 =	vld.msk [tilespmem:$0x1F100 ss:$0x0], $0xffff  }
.LBB2_2:
0x1b: {  	s20 =	sshll.u32 s22, $0x7  }
0x1c: {  	s21 =	sadd.s32 s20, s6  }
0x1d: {  	[tilespmem:s15], [sflag:$0x2] =	stream.strided.gather [hbm4b:s21+s9], $0x3400, s10, s9, $0x38;
	[tilespmem:$0x1F180] =	vst v63  }
0x1e: {  	_ =	swait.ge [sflag:s16], $0x3000  }
0x1f: {  	[sflag:s16] =	ssyncset.done $0x0  }
0x20: {  	s31 =	simm.s32 $0x18780;
	[sflag:s16] =	ssyncadd.s32 $0xFFFFD000  }
0x21: {  	v1 =	vld [tilespmem:s31+$0x0]  }
0x22: {  	v2 =	vld [tilespmem:s31+$0x10]  }
0x23: {  	v3 =	vld [tilespmem:s31+$0x20]  }
0x24: {  	v5 =	vld [tilespmem:s31+$0x30]  }
0x25: {  	v6 =	vld [tilespmem:s31+$0x40]  }
0x26: {  	v8 =	vld [tilespmem:s31+$0x50]  }
0x27: {  	v9 =	vld [tilespmem:s31+$0x60]  }
0x28: {  	v12 =	vld [tilespmem:s31+$0x70]  }
0x29: {  	v10 =	vld [tilespmem:s31+$0xFFFFFF80]  }
0x2a: {  	v11 =	vld [tilespmem:s31+$0xFFFFFF90]  }
0x2b: {  	v20 =	vld [tilespmem:s31+$0xFFFFFFA0]  }
0x2c: {  	v21 =	vld [tilespmem:s31+$0xFFFFFFB0]  }
0x2d: {  	v22 =	vld [tilespmem:s31+$0xFFFFFFC0]  }
0x2e: {  	v26 =	vld [tilespmem:s31+$0xFFFFFFD0]  }
0x2f: {  	v7 =	vimm.f32 $0.0e+00;
	v4 =	vimm.s32 $0x0;
	v27 =	vld [tilespmem:s31+$0xFFFFFFE0]  }
0x30: {  	v29 =	vld [tilespmem:s31+$0xFFFFFFF0];
	vm0 =	vlt.s32 v1, $0x1;
	vm1 =	vlt.s32 v2, $0x1;
	vm2 =	vlt.s32 v3, $0x1  }
0x31: {  	vm3 =	vlt.s32 v5, $0x1;
	vm4 =	vlt.s32 v6, $0x1;
	vm5 =	vlt.s32 v8, $0x1;
	v28 =	vld.idx.msk [tilespmem:v1+s3+$0x0], $0xffff  }
0x32: {  	vm6 =	vlt.s32 v9, $0x1;
	vm7 =	vlt.s32 v10, $0x1;
	vm8 =	vlt.s32 v11, $0x1;
	v30 =	vld.idx.msk [tilespmem:v2+s3+$0x0], $0xffff  }
0x33: {  	vm9 =	vlt.s32 v12, $0x1;
	vm10 =	vlt.s32 v20, $0x1;
	vm11 =	vlt.s32 v21, $0x1;
	v32 =	vld.idx.msk [tilespmem:v3+s3+$0x0], $0xffff  }
0x34: {  	vm12 =	vlt.s32 v22, $0x1;
	vm13 =	vlt.s32 v26, $0x1;
	vm14 =	vlt.s32 v27, $0x1;
	v23 =	vld.idx.msk [tilespmem:v10+s3+$0x0], $0xffff  }
0x35: {  	vm15 =	vlt.s32 v29, $0x1;
	v33 =	vnsel vm1, $0x1, v2;
	v19 =	vnsel vm2, $0x1, v3;
	v31 =	vld.idx.msk [tilespmem:v11+s3+$0x0], $0xffff  }
0x36: {  	v18 =	vnsel vm3, $0x1, v5;
	v17 =	vnsel vm4, $0x1, v6;
	v15 =	vnsel vm5, $0x1, v8;
	v2 =	vld.idx.msk [tilespmem:v20+s3+$0x0], $0xffff  }
0x37: {  	v14 =	vnsel vm6, $0x1, v9;
	v13 =	vnsel vm9, $0x1, v12;
	v34 =	vnsel vm10, $0x1, v20;
	v16 =	vld.idx.msk [tilespmem:v5+s3+$0x0], $0xffff  }
0x38: {  	v35 =	vnsel vm11, $0x1, v21;
	v25 =	vnsel vm12, $0x1, v22;
	v3 =	vnsel vm7, $0x1, v10;
	v10 =	vld.idx.msk [tilespmem:v21+s3+$0x0], $0xffff  }
0x39: {  	v24 =	vnsel vm13, $0x1, v26;
	v34 =	vadd.s32 v4, v34;
	v1 =	vnsel vm0, $0x1, v1;
	v20 =	vld.idx.msk [tilespmem:v6+s3+$0x0], $0xffff  }
0x3a: {  	v11 =	vnsel vm8, $0x1, v11;
	v36 =	vld.idx.msk [tilespmem:v22+s3+$0x0], $0xffff;
	v21 =	vnsel vm14, $0x1, v27;
	v22 =	vnsel vm15, $0x1, v29  }
0x3b: {  	v26 =	vld.idx.msk [tilespmem:v26+s3+$0x0], $0xffff;
	v3 =	vadd.s32 v4, v3;
	v11 =	vadd.s32 v4, v11;
	v5 =	vadd.f32 v23, v7  }
0x3c: {  	v6 =	vadd.f32 v31, v7;
	v23 =	vld.idx.msk [tilespmem:v8+s3+$0x0], $0xffff;
	v8 =	vadd.f32 v2, v7;
	v2 =	vadd.s32 v1, v3  }
0x3d: {  	v29 =	vld.idx.msk [tilespmem:v29+s3+$0x0], $0xffff;
	v31 =	vadd.f32 v10, v7;
	v1 =	vadd.s32 v33, v11;
	v33 =	vadd.s32 v4, v35  }
0x3e: {  	v10 =	vimm.s32 $0x0;
	v5 =	vadd.f32 v28, v5;
	v28 =	vld.idx.msk [tilespmem:v27+s3+$0x0], $0xffff;
	v6 =	vadd.f32 v30, v6  }
0x3f: {  	v11 =	vimm.f32 $0.0e+00;
	v3 =	vadd.f32 v32, v8;
	v27 =	vld.idx.msk [tilespmem:v9+s3+$0x0], $0xffff;
	v32 =	vadd.f32 v36, v7  }
0x40: {  	s23 =	simm.s32 $0x18880;
	s21 =	simm.s32 $0x0;
	v30 =	vld.idx.msk [tilespmem:v12+s3+$0x0], $0xffff;
	v12 =	vimm.f32 $0.0e+00;
	v8 =	vimm.s32 $0x0;
	v9 =	vimm.s32 $0x0  }
.LBB2_3:
0x41: {  	v35 =	vld [tilespmem:s23+$0x0];
	v34 =	vadd.s32 v19, v34;
	v31 =	vadd.f32 v16, v31;
	v33 =	vadd.s32 v18, v33  }
0x42: {  	v4 =	vadd.s32 v4, v25;
	v7 =	vadd.f32 v26, v7;
	v18 =	vld [tilespmem:s23+$0x10];
	v32 =	vadd.f32 v20, v32  }
0x43: {  	v10 =	vadd.s32 v10, v24;
	v11 =	vadd.f32 v28, v11;
	v4 =	vadd.s32 v17, v4;
	v19 =	vld [tilespmem:s23+$0x20]  }
0x44: {  	v10 =	vadd.s32 v15, v10;
	v12 =	vadd.f32 v29, v12;
	v7 =	vadd.f32 v23, v7;
	v17 =	vld [tilespmem:s23+$0x30]  }
0x45: {  	v8 =	vadd.s32 v8, v21;
	v9 =	vadd.s32 v9, v22;
	v11 =	vadd.f32 v27, v11;
	v15 =	vld [tilespmem:s23+$0x40]  }
0x46: {  	v8 =	vadd.s32 v14, v8;
	v9 =	vadd.s32 v13, v9;
	v12 =	vadd.f32 v30, v12;
	v21 =	vld [tilespmem:s23+$0x50]  }
0x47: {  	v27 =	vld [tilespmem:s23+$0x60]  }
0x48: {  	v30 =	vld [tilespmem:s23+$0x70]  }
0x49: {  	v13 =	vld [tilespmem:s23+$0xFFFFFF80]  }
0x4a: {  	v22 =	vld [tilespmem:s23+$0xFFFFFF90]  }
0x4b: {  	v23 =	vld [tilespmem:s23+$0xFFFFFFA0]  }
0x4c: {  	v24 =	vld [tilespmem:s23+$0xFFFFFFB0]  }
0x4d: {  	v25 =	vld [tilespmem:s23+$0xFFFFFFC0]  }
0x4e: {  	v26 =	vld [tilespmem:s23+$0xFFFFFFD0]  }
0x4f: {  	v28 =	vld [tilespmem:s23+$0xFFFFFFE0]  }
0x50: {  	v29 =	vld [tilespmem:s23+$0xFFFFFFF0]  }
0x51: {  	vm0 =	vlt.s32 v35, $0x1;
	v36 =	vld.idx.msk [tilespmem:v35+s3+$0x0], $0xffff  }
0x52: {  	vm1 =	vlt.s32 v18, $0x1;
	vm2 =	vlt.s32 v19, $0x1;
	vm3 =	vlt.s32 v17, $0x1;
	v37 =	vld.idx.msk [tilespmem:v18+s3+$0x0], $0xffff  }
0x53: {  	vm4 =	vlt.s32 v15, $0x1;
	vm5 =	vlt.s32 v21, $0x1;
	vm6 =	vlt.s32 v27, $0x1;
	v38 =	vld.idx.msk [tilespmem:v19+s3+$0x0], $0xffff  }
0x54: {  	vm9 =	vlt.s32 v30, $0x1;
	vm7 =	vlt.s32 v13, $0x1;
	vm8 =	vlt.s32 v22, $0x1;
	v16 =	vld.idx.msk [tilespmem:v17+s3+$0x0], $0xffff  }
0x55: {  	vm10 =	vlt.s32 v23, $0x1;
	vm11 =	vlt.s32 v24, $0x1;
	vm12 =	vlt.s32 v25, $0x1;
	v39 =	vld.idx.msk [tilespmem:v13+s3+$0x0], $0xffff  }
0x56: {  	s21 =	sadd.s32 $0x2, s21;
	vm13 =	vlt.s32 v26, $0x1;
	vm14 =	vlt.s32 v28, $0x1;
	vm15 =	vlt.s32 v29, $0x1;
	v40 =	vld.idx.msk [tilespmem:v22+s3+$0x0], $0xffff  }
0x57: {  	p0 =	slt.u32 s21, $0x5E;
	v42 =	vnsel vm1, $0x1, v18;
	v35 =	vnsel vm0, $0x1, v35;
	v19 =	vnsel vm2, $0x1, v19;
	v41 =	vld.idx.msk [tilespmem:v23+s3+$0x0], $0xffff  }
0x58: {  	v18 =	vnsel vm3, $0x1, v17;
	v17 =	vnsel vm4, $0x1, v15;
	v20 =	vld.idx.msk [tilespmem:v15+s3+$0x0], $0xffff;
	v15 =	vnsel vm5, $0x1, v21  }
0x59: {  	v14 =	vnsel vm6, $0x1, v27;
	v43 =	vnsel vm7, $0x1, v13;
	v13 =	vnsel vm9, $0x1, v30;
	v44 =	vld.idx.msk [tilespmem:v24+s3+$0x0], $0xffff  }
0x5a: {  	v45 =	vnsel vm8, $0x1, v22;
	v46 =	vnsel vm10, $0x1, v23;
	v47 =	vnsel vm11, $0x1, v24;
	v48 =	vld.idx.msk [tilespmem:v25+s3+$0x0], $0xffff  }
0x5b: {  	v24 =	vnsel vm13, $0x1, v26;
	v5 =	vadd.f32 v39, v5;
	v25 =	vnsel vm12, $0x1, v25;
	v23 =	vld.idx.msk [tilespmem:v21+s3+$0x0], $0xffff  }
.Ltmp0:
0x5c: {  	v22 =	vnsel vm15, $0x1, v29;
	v6 =	vadd.f32 v40, v6;
	v21 =	vnsel vm14, $0x1, v28;
	v26 =	vld.idx.msk [tilespmem:v26+s3+$0x0], $0xffff;
	(pc) =	sbr.rel @p0 .LBB2_3-.Ltmp0, $4  }
0x5d: {  	v2 =	vadd.s32 v2, v43;
	v3 =	vadd.f32 v41, v3;
	v5 =	vadd.f32 v36, v5;
	v28 =	vld.idx.msk [tilespmem:v28+s3+$0x0], $0xffff  }
0x5e: {  	v1 =	vadd.s32 v1, v45;
	v2 =	vadd.s32 v35, v2;
	v6 =	vadd.f32 v37, v6;
	v29 =	vld.idx.msk [tilespmem:v29+s3+$0x0], $0xffff  }
0x5f: {  	v1 =	vadd.s32 v42, v1;
	v31 =	vadd.f32 v44, v31;
	v3 =	vadd.f32 v38, v3;
	v27 =	vld.idx.msk [tilespmem:v27+s3+$0x0], $0xffff  }
0x60: {  	s23 =	sadd.s32 $0x100, s23;
	v34 =	vadd.s32 v34, v46;
	v33 =	vadd.s32 v33, v47;
	v32 =	vadd.f32 v48, v32;
	v30 =	vld.idx.msk [tilespmem:v30+s3+$0x0], $0xffff  }
0x61: {  	s21 =	sadd.s32 $0x1, s22;
	p0 =	seq.s32 s22, $0x3  }
0x62: {  	s22 =	sshll.u32 @!p0 s21, $0x7;
	s23 =	simm.s32 @!p0 $0x400  }
0x63: {  	s24 =	simm.s32 @!p0 $0x20000;
	s25 =	simm.s32 @!p0 $0x18700;
	s22 =	sadd.s32 @!p0 s22, s5  }
0x64: {  	[tilespmem:s25], [sflag:$0x1] =	stream.strided.gather @!p0 [hbm4b:s22+s23], $0x3000, s24, s23, $0x38;
	[tilespmem:$0x1F180] =	vst v63  }
0x65: {  	_ =	swait.ge [sflag:s17], $0x3400  }
0x66: {  	[sflag:s17] =	ssyncset.done $0x0  }
0x67: {  	s31 =	simm.s32 $0x1BB80;
	[sflag:s17] =	ssyncadd.s32 $0xFFFFCC00  }
0x68: {  	v35 =	vld [tilespmem:s31+$0x0]  }
0x69: {  	v36 =	vld [tilespmem:s31+$0x10]  }
0x6a: {  	v37 =	vld [tilespmem:s31+$0x20]  }
0x6b: {  	v38 =	vld [tilespmem:s31+$0x30]  }
0x6c: {  	v39 =	vld [tilespmem:s31+$0x40]  }
0x6d: {  	v40 =	vld [tilespmem:s31+$0x50]  }
0x6e: {  	v41 =	vld [tilespmem:s31+$0x60]  }
0x6f: {  	v42 =	vld [tilespmem:s31+$0x70]  }
0x70: {  	v43 =	vld [tilespmem:s31+$0xFFFFFF80]  }
0x71: {  	v44 =	vld [tilespmem:s31+$0xFFFFFF90]  }
0x72: {  	v34 =	vadd.s32 v19, v34;
	v45 =	vld [tilespmem:s31+$0xFFFFFFA0]  }
0x73: {  	v31 =	vadd.f32 v16, v31;
	v33 =	vadd.s32 v18, v33;
	v4 =	vadd.s32 v4, v25;
	v25 =	vld [tilespmem:s31+$0xFFFFFFB0]  }
0x74: {  	v7 =	vadd.f32 v26, v7;
	v16 =	vadd.s32 v10, v24;
	v8 =	vadd.s32 v8, v21;
	v24 =	vld [tilespmem:s31+$0xFFFFFFC0]  }
0x75: {  	v32 =	vadd.f32 v20, v32;
	v11 =	vadd.f32 v28, v11;
	v10 =	vadd.s32 v17, v4;
	v26 =	vld [tilespmem:s31+$0xFFFFFFD0]  }
0x76: {  	v17 =	vadd.f32 v29, v12;
	v4 =	vadd.f32 v23, v7;
	v12 =	vadd.s32 v15, v16;
	v46 =	vld [tilespmem:s31+$0xFFFFFFE0]  }
0x77: {  	v15 =	vadd.s32 v9, v22;
	v9 =	vadd.s32 v14, v8;
	v7 =	vadd.f32 v27, v11;
	v22 =	vld [tilespmem:s31+$0xFFFFFFF0]  }
0x78: {  	v11 =	vadd.s32 v13, v15;
	v8 =	vadd.f32 v30, v17;
	vm0 =	vlt.s32 v35, $0x1;
	v47 =	vld.idx.msk [tilespmem:v35+s3+$0x0], $0xffff  }
0x79: {  	vm1 =	vlt.s32 v36, $0x1;
	vm2 =	vlt.s32 v37, $0x1;
	vm3 =	vlt.s32 v38, $0x1;
	v48 =	vld.idx.msk [tilespmem:v36+s3+$0x0], $0xffff  }
0x7a: {  	vm4 =	vlt.s32 v39, $0x1;
	vm5 =	vlt.s32 v40, $0x1;
	vm6 =	vlt.s32 v41, $0x1;
	v49 =	vld.idx.msk [tilespmem:v37+s3+$0x0], $0xffff  }
0x7b: {  	vm7 =	vlt.s32 v43, $0x1;
	vm8 =	vlt.s32 v44, $0x1;
	vm9 =	vlt.s32 v42, $0x1;
	v13 =	vld.idx.msk [tilespmem:v38+s3+$0x0], $0xffff  }
0x7c: {  	vm10 =	vlt.s32 v45, $0x1;
	vm11 =	vlt.s32 v25, $0x1;
	vm12 =	vlt.s32 v24, $0x1;
	v17 =	vld.idx.msk [tilespmem:v43+s3+$0x0], $0xffff  }
0x7d: {  	vm13 =	vlt.s32 v26, $0x1;
	vm14 =	vlt.s32 v46, $0x1;
	vm15 =	vlt.s32 v22, $0x1;
	v23 =	vld.idx.msk [tilespmem:v44+s3+$0x0], $0xffff  }
0x7e: {  	v20 =	vnsel vm2, $0x1, v37;
	v21 =	vnsel vm3, $0x1, v38;
	v19 =	vnsel vm4, $0x1, v39;
	v50 =	vld.idx.msk [tilespmem:v45+s3+$0x0], $0xffff  }
0x7f: {  	v18 =	vnsel vm5, $0x1, v40;
	v57 =	vnsel vm7, $0x1, v43;
	v16 =	vnsel vm6, $0x1, v41;
	v14 =	vld.idx.msk [tilespmem:v39+s3+$0x0], $0xffff  }
0x80: {  	v15 =	vnsel vm9, $0x1, v42;
	v59 =	vnsel vm8, $0x1, v44;
	v60 =	vnsel vm10, $0x1, v45;
	v58 =	vld.idx.msk [tilespmem:v25+s3+$0x0], $0xffff  }
0x81: {  	v61 =	vnsel vm11, $0x1, v25;
	v30 =	vnsel vm12, $0x1, v24;
	v29 =	vnsel vm13, $0x1, v26;
	v62 =	vld.idx.msk [tilespmem:v24+s3+$0x0], $0xffff  }
0x82: {  	v28 =	vnsel vm14, $0x1, v46;
	v27 =	vnsel vm15, $0x1, v22;
	v1 =	vadd.s32 v1, v59;
	v25 =	vld.idx.msk [tilespmem:v46+s3+$0x0], $0xffff  }
0x83: {  	v34 =	vadd.s32 v34, v60;
	v33 =	vadd.s32 v33, v61;
	v5 =	vadd.f32 v17, v5;
	v17 =	vld.idx.msk [tilespmem:v40+s3+$0x0], $0xffff  }
0x84: {  	v35 =	vnsel vm0, $0x1, v35;
	v36 =	vnsel vm1, $0x1, v36;
	v24 =	vadd.f32 v23, v6;
	v23 =	vld.idx.msk [tilespmem:v26+s3+$0x0], $0xffff  }
0x85: {  	v6 =	vadd.s32 v2, v57;
	v63 =	vadd.f32 v50, v3;
	v26 =	vld.idx.msk [tilespmem:v22+s3+$0x0], $0xffff;
	v31 =	vadd.f32 v58, v31  }
0x86: {  	v22 =	vld.idx.msk [tilespmem:v41+s3+$0x0], $0xffff;
	v32 =	vadd.f32 v62, v32;
	v6 =	vadd.s32 v35, v6;
	v2 =	vadd.f32 v47, v5  }
0x87: {  	s22 =	simm.s32 $0x0;
	s23 =	simm.s32 $0x1BC80;
	v3 =	vadd.f32 v48, v24;
	v5 =	vadd.s32 v36, v1;
	v1 =	vadd.f32 v49, v63;
	v24 =	vld.idx.msk [tilespmem:v42+s3+$0x0], $0xffff  }
.LBB2_5:
0x88: {  	v35 =	vld [tilespmem:s23+$0x0];
	v34 =	vadd.s32 v20, v34;
	v31 =	vadd.f32 v13, v31;
	v33 =	vadd.s32 v21, v33  }
0x89: {  	v10 =	vadd.s32 v10, v30;
	v4 =	vadd.f32 v23, v4;
	v20 =	vld [tilespmem:s23+$0x10];
	v32 =	vadd.f32 v14, v32  }
0x8a: {  	v12 =	vadd.s32 v12, v29;
	v7 =	vadd.f32 v25, v7;
	v10 =	vadd.s32 v19, v10;
	v14 =	vld [tilespmem:s23+$0x20]  }
0x8b: {  	v12 =	vadd.s32 v18, v12;
	v8 =	vadd.f32 v26, v8;
	v4 =	vadd.f32 v17, v4;
	v19 =	vld [tilespmem:s23+$0x30]  }
0x8c: {  	v9 =	vadd.s32 v9, v28;
	v11 =	vadd.s32 v11, v27;
	v7 =	vadd.f32 v22, v7;
	v17 =	vld [tilespmem:s23+$0x40]  }
0x8d: {  	v9 =	vadd.s32 v16, v9;
	v11 =	vadd.s32 v15, v11;
	v8 =	vadd.f32 v24, v8;
	v22 =	vld [tilespmem:s23+$0x50]  }
0x8e: {  	v24 =	vld [tilespmem:s23+$0x60]  }
0x8f: {  	v36 =	vld [tilespmem:s23+$0x70]  }
0x90: {  	v15 =	vld [tilespmem:s23+$0xFFFFFF80]  }
0x91: {  	v23 =	vld [tilespmem:s23+$0xFFFFFF90]  }
0x92: {  	v25 =	vld [tilespmem:s23+$0xFFFFFFA0]  }
0x93: {  	v26 =	vld [tilespmem:s23+$0xFFFFFFB0]  }
0x94: {  	v27 =	vld [tilespmem:s23+$0xFFFFFFC0]  }
0x95: {  	v28 =	vld [tilespmem:s23+$0xFFFFFFD0]  }
0x96: {  	v37 =	vld [tilespmem:s23+$0xFFFFFFE0]  }
0x97: {  	v38 =	vld [tilespmem:s23+$0xFFFFFFF0]  }
0x98: {  	vm0 =	vlt.s32 v35, $0x1;
	v39 =	vld.idx.msk [tilespmem:v35+s3+$0x0], $0xffff  }
0x99: {  	vm1 =	vlt.s32 v20, $0x1;
	vm2 =	vlt.s32 v14, $0x1;
	vm3 =	vlt.s32 v19, $0x1;
	v40 =	vld.idx.msk [tilespmem:v20+s3+$0x0], $0xffff  }
0x9a: {  	vm4 =	vlt.s32 v17, $0x1;
	vm5 =	vlt.s32 v22, $0x1;
	vm6 =	vlt.s32 v24, $0x1;
	v41 =	vld.idx.msk [tilespmem:v14+s3+$0x0], $0xffff  }
0x9b: {  	vm9 =	vlt.s32 v36, $0x1;
	vm7 =	vlt.s32 v15, $0x1;
	vm8 =	vlt.s32 v23, $0x1;
	v13 =	vld.idx.msk [tilespmem:v19+s3+$0x0], $0xffff  }
0x9c: {  	vm10 =	vlt.s32 v25, $0x1;
	vm11 =	vlt.s32 v26, $0x1;
	vm12 =	vlt.s32 v27, $0x1;
	v29 =	vld.idx.msk [tilespmem:v15+s3+$0x0], $0xffff  }
0x9d: {  	s22 =	sadd.s32 $0x2, s22;
	vm13 =	vlt.s32 v28, $0x1;
	vm14 =	vlt.s32 v37, $0x1;
	vm15 =	vlt.s32 v38, $0x1;
	v42 =	vld.idx.msk [tilespmem:v23+s3+$0x0], $0xffff  }
0x9e: {  	p0 =	slt.u32 s22, $0x66;
	v44 =	vnsel vm1, $0x1, v20;
	v35 =	vnsel vm0, $0x1, v35;
	v20 =	vnsel vm2, $0x1, v14;
	v43 =	vld.idx.msk [tilespmem:v25+s3+$0x0], $0xffff  }
0x9f: {  	v21 =	vnsel vm3, $0x1, v19;
	v18 =	vnsel vm5, $0x1, v22;
	v19 =	vnsel vm4, $0x1, v17;
	v14 =	vld.idx.msk [tilespmem:v17+s3+$0x0], $0xffff  }
0xa0: {  	v16 =	vnsel vm6, $0x1, v24;
	v45 =	vnsel vm7, $0x1, v15;
	v15 =	vnsel vm9, $0x1, v36;
	v46 =	vld.idx.msk [tilespmem:v26+s3+$0x0], $0xffff  }
0xa1: {  	v47 =	vnsel vm8, $0x1, v23;
	v48 =	vnsel vm10, $0x1, v25;
	v49 =	vnsel vm11, $0x1, v26;
	v50 =	vld.idx.msk [tilespmem:v27+s3+$0x0], $0xffff  }
0xa2: {  	v30 =	vnsel vm12, $0x1, v27;
	v2 =	vadd.f32 v29, v2;
	v29 =	vnsel vm13, $0x1, v28;
	v17 =	vld.idx.msk [tilespmem:v22+s3+$0x0], $0xffff  }
.Ltmp1:
0xa3: {  	v27 =	vnsel vm15, $0x1, v38;
	v3 =	vadd.f32 v42, v3;
	v23 =	vld.idx.msk [tilespmem:v28+s3+$0x0], $0xffff;
	v28 =	vnsel vm14, $0x1, v37;
	(pc) =	sbr.rel @p0 .LBB2_5-.Ltmp1, $4  }
0xa4: {  	v6 =	vadd.s32 v6, v45;
	v1 =	vadd.f32 v43, v1;
	v2 =	vadd.f32 v39, v2;
	v25 =	vld.idx.msk [tilespmem:v37+s3+$0x0], $0xffff  }
0xa5: {  	v5 =	vadd.s32 v5, v47;
	v6 =	vadd.s32 v35, v6;
	v3 =	vadd.f32 v40, v3;
	v26 =	vld.idx.msk [tilespmem:v38+s3+$0x0], $0xffff  }
0xa6: {  	v5 =	vadd.s32 v44, v5;
	v31 =	vadd.f32 v46, v31;
	v1 =	vadd.f32 v41, v1;
	v22 =	vld.idx.msk [tilespmem:v24+s3+$0x0], $0xffff  }
0xa7: {  	s23 =	sadd.s32 $0x100, s23;
	v34 =	vadd.s32 v34, v48;
	v33 =	vadd.s32 v33, v49;
	v32 =	vadd.f32 v50, v32;
	v24 =	vld.idx.msk [tilespmem:v36+s3+$0x0], $0xffff  }
0xa8: {  	v20 =	vadd.s32 v20, v34  }
0xa9: {  	v21 =	vadd.s32 v21, v33;
	v10 =	vadd.s32 v10, v30;
	v6 =	vcvt.s32.f32 v6  }
0xaa: {  	v12 =	vadd.s32 v12, v29;
	v5 =	vcvt.s32.f32 v5;
	v9 =	vadd.s32 v9, v28  }
0xab: {  	v11 =	vadd.s32 v11, v27;
	v46 =	vcvt.s32.f32 v20;
	(erf) = vrcp.f32 v6  }
0xac: {  	v10 =	vadd.s32 v19, v10;
	v47 =	vcvt.s32.f32 v21;
	(erf) = vrcp.f32 v5  }
0xad: {  	v12 =	vadd.s32 v18, v12;
	v48 =	vcvt.s32.f32 v10;
	(erf) = vrcp.f32 v46  }
0xae: {  	v9 =	vadd.s32 v16, v9;
	v49 =	vcvt.s32.f32 v12;
	(erf) = vrcp.f32 v47  }
0xaf: {  	v50 =	vadd.s32 v15, v11;
	v51 =	vcvt.s32.f32 v9;
	(erf) = vrcp.f32 v48  }
0xb0: {  	v52 =	vcvt.s32.f32 v50;
	(erf) = vrcp.f32 v49  }
0xb1: {  	(erf) = vrcp.f32 v51  }
0xb2: {  	(erf) = vrcp.f32 v52;
	_ =	sdelay $0x1  }
0xb3: {  	v53 =	vpop (erf)  }
0xb4: {  	v55 =	vadd.f32 v13, v31;
	v4 =	vadd.f32 v23, v4;
	v54 =	vpop (erf);
	v2 =	vmul.f32 v53, v2  }
0xb5: {  	v57 =	vadd.f32 v14, v32;
	v7 =	vadd.f32 v25, v7;
	v56 =	vpop (erf);
	v3 =	vmul.f32 v54, v3  }
0xb6: {  	v8 =	vadd.f32 v26, v8;
	v58 =	vpop (erf);
	v2 =	vadd.f32 v2, v0;
	v1 =	vmul.f32 v56, v1  }
0xb7: {  	s20 =	sand.u32 $0x3FFFFF80, s20;
	v4 =	vadd.f32 v17, v4;
	v59 =	vpop (erf);
	v3 =	vadd.f32 v3, v0;
	v6 =	vmul.f32 v58, v55  }
0xb8: {  	v7 =	vadd.f32 v22, v7;
	v60 =	vpop (erf);
	[tilespmem:s20+$0x1EF00] =	vst v2;
	v1 =	vadd.f32 v1, v0;
	v2 =	vmul.f32 v59, v57  }
0xb9: {  	v8 =	vadd.f32 v24, v8;
	v61 =	vpop (erf);
	[tilespmem:s20+$0x1EF10] =	vst v3;
	v3 =	vadd.f32 v6, v0;
	v4 =	vmul.f32 v60, v4  }
0xba: {  	p0 =	sne.s32 s21, $0x4;
	[tilespmem:s20+$0x1EF20] =	vst v1;
	v1 =	vadd.f32 v2, v0;
	v2 =	vmul.f32 v61, v7;
	v62 =	vpop (erf)  }
.Ltmp2:
0xbb: {  	[tilespmem:s20+$0x1EF30] =	vst v3;
	v3 =	vadd.f32 v4, v0;
	v63 =	vmul.f32 v62, v8;
	(pc) =	sbr.rel @p0 .LBB2_2-.Ltmp2, $4  }
0xbc: {  	[tilespmem:s20+$0x1EF40] =	vst v1;
	v1 =	vadd.f32 v2, v0  }
0xbd: {  	[tilespmem:s20+$0x1EF50] =	vst v3;
	v2 =	vadd.f32 v63, v0  }
0xbe: {  	[tilespmem:s20+$0x1EF60] =	vst v1  }
0xbf: {  	s22 =	smov.u32 s21;
	[tilespmem:s20+$0x1EF70] =	vst v2  }
0xc0: {  	s19 =	sadd.s32 $0x1, s19  }
0xc1: {  	p0 =	sne.s32 s19, s8  }
.Ltmp3:
0xc2: {  	_ = 	snop;
	(pc) =	sbr.rel @p0 .LBB2_1-.Ltmp3, $4  }
0xc3: {  	[hbm4b:s7+s3] =	stream.linear.scatter [tilespmem:s18], [sflag:$0x4], $0x200, $0x38;
	[tilespmem:$0x1F180] =	vst v63  }
0xc4: {  	_ =	swait.ge [sflag:s13], $0x200  }
0xc5: {  	[sflag:s13] =	ssyncset.done $0x0  }
0xc6: {  	[sflag:s13] =	ssyncadd.s32 $0xFFFFFE00  }
0xc7: {  	_ =	sfence.sel $0x180000  }
0xc8: {  	[bflag:$0x0] =	sbarrier.arrive $0xFFFF  }
0xc9: {  	p0 =	sne.s32 s2, $0x0;
	_ =	strace $0x90000047  }
0xca: {  	s0 =	sadd.s32 @!p0 $0x100000, s0;
	[bflag:$0x2] =	sbarrier.arrive $0xFFFF  }
0xcb: {  	[sflag:s0] =	ssyncadd.tile.s32 @!p0 $0x1;
	_ =	shalt  }
.Lfunc_end2:
_tile_overlayer_lowered:
.L_overlay_start_2:
0xcc: {  	(tag) =	ssettag $0x2  }
0xcd: {  	s0 =	rddreg [dreg:$0x0];
	s2 =	stileid.u32  }
0xce: {  	s1 =	rddreg [dreg:$0x1];
	p0 =	sne.s32 s2, $0x0  }
0xcf: {  	s3 =	rddreg [dreg:$0x2];
	[bflag:$0x3] =	sbarrier.arrive $0xFFFF;
	s2 =	simm.s32 @!p0 $0x1C04  }
0xd0: {  	[timem:s3], [sflag:s2] =	dma.local @!p0 [hbm:s0], s1  }
0xd1: {  	s0 =	simm.s32 @!p0 $0x4  }
0xd2: {  	_ =	swait.ge @!p0 [sflag:s0], s1  }
0xd3: {  	s1 =	ssub.s32 @!p0 $0x0, s1;
	[sflag:s0] =	ssyncset.done @!p0 $0x0  }
0xd4: {  	[sflag:s0] =	ssyncadd.s32 @!p0 s1  }
0xd5: {  	[bflag:$0x3] =	sbarrier.arrive $0xFFFF  }
0xd6: {  	_ =	shalt  }

</sc_bundles>
